<compile_context>
chip_gen: v7x
topology: tpu7x:2x2x1
jax: 0.10.2.dev20260603
libtpu: 0.0.44.dev20260713+nightly
codegen_flags: <defaults>
</compile_context>

<pallas_src>
import functools

import jax
import jax.numpy as jnp
from jax import lax
from jax.experimental import pallas as pl
from jax.experimental.pallas import tpu as pltpu
from jax.experimental.pallas import tpu_sc as plsc

B, L = 4096, 200
N = B * L
NUM_V = 1000000
TOKEN_D = 64
OUT_D = 112
PAD_D = 128
NC, NS = 2, 16
NW = NC * NS
ROWS_PER_W = N // NW
C = 200
N_CHUNKS = ROWS_PER_W // C
G_SPLITS = ((0, 128), (128, 72))


def _body(tok_hbm, cmb_hbm,
          tokw_hbm, wkw_hbm, hrw_hbm, duw_hbm,
          out_hbm,
          ti0, ti1, ci0, ci1,
          wtab_v, htab_v, dtab_v,
          tr0, tr1, o0, o1, gsem, osem, isem):
    out_hbm = out_hbm.reshape(N, OUT_D)
    wid = lax.axis_index("s") * NC + lax.axis_index("c")
    iota = jax.lax.iota(jnp.int32, 16)
    w0 = wid * ROWS_PER_W

    pltpu.sync_copy(wkw_hbm, wtab_v)
    pltpu.sync_copy(hrw_hbm, htab_v)
    pltpu.sync_copy(duw_hbm, dtab_v)

    def fire_idx(c, ti, ci):
        base = w0 + c * C
        pltpu.async_copy(tok_hbm.at[pl.ds(base, C)], ti, isem)
        pltpu.async_copy(cmb_hbm.at[pl.ds(base, C)], ci, isem)

    def wait_idx(ti, ci):
        pltpu.make_async_copy(tok_hbm.at[pl.ds(0, C)], ti, isem).wait()
        pltpu.make_async_copy(cmb_hbm.at[pl.ds(0, C)], ci, isem).wait()

    def fire_gathers(ti, tr):
        for off, g in G_SPLITS:
            pltpu.async_copy(
                tokw_hbm.at[ti.at[pl.ds(off, g)]],
                tr.at[pl.ds(off, g)],
                gsem)

    def wait_gathers(tr):
        for off, g in G_SPLITS:
            pltpu.make_async_copy(
                tokw_hbm.at[pl.ds(0, g)],
                tr.at[pl.ds(off, g)],
                gsem).wait()

    def wait_out(o):
        pltpu.make_async_copy(o, out_hbm.at[pl.ds(0, C)], osem).wait()

    fire_idx(0, ti0, ci0)
    wait_idx(ti0, ci0)
    fire_gathers(ti0, tr0)
    fire_idx(1, ti1, ci1)

    def step(c, ti_n, ci_n, ti, tr_n, tr, ci, o):
        base = w0 + c * C

        @pl.when(c >= 2)
        def _():
            wait_out(o)

        wait_gathers(tr)

        @pl.when(c + 1 < N_CHUNKS)
        def _():
            wait_idx(ti_n, ci_n)
            fire_gathers(ti_n, tr_n)

        def row_body(i, carry2):
            bidx = jnp.full((16,), i, jnp.int32)
            cb = plsc.load_gather(ci, [bidx])
            for k in range(4):
                o[i, pl.ds(k * 16, 16)] = tr[i, pl.ds(k * 16, 16)]
            o[i, pl.ds(64, 16)] = plsc.load_gather(
                wtab_v, [lax.shift_right_logical(cb, 18) + iota])
            o[i, pl.ds(80, 16)] = plsc.load_gather(
                htab_v, [(lax.shift_right_logical(cb, 9) & 511) + iota])
            o[i, pl.ds(96, 16)] = plsc.load_gather(
                dtab_v, [(cb & 511) + iota])
            return carry2
        lax.fori_loop(0, C, row_body, 0, unroll=4)

        pltpu.async_copy(o, out_hbm.at[pl.ds(base, C)], osem)

        @pl.when(c + 2 < N_CHUNKS)
        def _():
            fire_idx(c + 2, ti, ci)

    def pair_body(h, carry):
        step(2 * h, ti1, ci1, ti0, tr1, tr0, ci0, o0)
        step(2 * h + 1, ti0, ci0, ti1, tr0, tr1, ci1, o1)
        return carry

    lax.fori_loop(0, N_CHUNKS // 2, pair_body, 0, unroll=False)

    wait_out(o0)
    wait_out(o1)


@jax.jit
def _launch(tok, cmb, tokw, wkw, hrw, duw):
    mesh = plsc.VectorSubcoreMesh(core_axis_name="c", subcore_axis_name="s")
    kfn = functools.partial(
        pl.kernel,
        mesh=mesh,
        compiler_params=pltpu.CompilerParams(needs_layout_passes=False),
        out_type=jax.ShapeDtypeStruct((B, L, OUT_D), jnp.float32),
        scratch_types=[
            pltpu.VMEM((C,), jnp.int32),
            pltpu.VMEM((C,), jnp.int32),
            pltpu.VMEM((C,), jnp.int32),
            pltpu.VMEM((C,), jnp.int32),
            pltpu.VMEM((7 * 16,), jnp.float32),
            pltpu.VMEM((24 * 16,), jnp.float32),
            pltpu.VMEM((24 * 16,), jnp.float32),
            pltpu.VMEM((C, PAD_D), jnp.float32),
            pltpu.VMEM((C, PAD_D), jnp.float32),
            pltpu.VMEM((C, OUT_D), jnp.float32),
            pltpu.VMEM((C, OUT_D), jnp.float32),
            pltpu.SemaphoreType.DMA,
            pltpu.SemaphoreType.DMA,
            pltpu.SemaphoreType.DMA,
        ],
    )(_body)
    return kfn(tok, cmb, tokw, wkw, hrw, duw)


def kernel(token, week, hour, duration, token_w, week_w, hour_w, dur_w):
    token_w = jnp.pad(token_w, ((0, 0), (0, PAD_D - TOKEN_D)))
    tok = token.reshape(-1).astype(jnp.int32)
    cmb = ((week.astype(jnp.int32) << 22)
           | (hour.astype(jnp.int32) << 13)
           | (duration.astype(jnp.int32) << 4)).reshape(-1)
    return _launch(tok, cmb, token_w,
                   week_w.reshape(-1), hour_w.reshape(-1), dur_w.reshape(-1))

# --- scband reference (transcript-rebuilt; emitter-appended) ---
"""Pipeline reference for scband-hier-embedding-38637525795176 (READ-ONLY COPY).

The authoritative reference and input builder live on the scoring server;
editing this copy changes nothing except your own understanding.
"""

import jax, jax.numpy as jnp
import numpy as np

B, L = 4096, 200
NUM_VOCAB = 1000000
TOKEN_D, WEEK_D, HOUR_D, DUR_D = 64, 16, 16, 16


def setup_inputs(seed: int = 0) -> dict:
    key = jax.random.key(seed)
    ks = jax.random.split(key, 8)
    token = jax.random.randint(ks[0], (B, L), 0, NUM_VOCAB, dtype=jnp.int32).astype(jnp.int64) if False else jax.random.randint(ks[0], (B, L), 0, NUM_VOCAB)
    week = jax.random.randint(ks[1], (B, L), 0, 7)
    hour = jax.random.randint(ks[2], (B, L), 0, 24)
    duration = jax.random.randint(ks[3], (B, L), 0, 24)
    initrange = 0.5 / TOKEN_D
    token_w = jax.random.uniform(ks[4], (NUM_VOCAB, TOKEN_D), minval=-initrange, maxval=initrange, dtype=jnp.float32)
    week_w = jax.random.normal(ks[5], (7, WEEK_D), dtype=jnp.float32)
    hour_w = jax.random.normal(ks[6], (24, HOUR_D), dtype=jnp.float32)
    dur_w = jax.random.normal(ks[7], (24, DUR_D), dtype=jnp.float32)
    return {"token": token, "week": week, "hour": hour, "duration": duration,
            "token_w": token_w, "week_w": week_w, "hour_w": hour_w, "dur_w": dur_w}


def reference(token, week, hour, duration, token_w, week_w, hour_w, dur_w):
    # HierEmbedding.forward (dropout in eval mode == identity)
    t = jnp.take(token_w, token, axis=0)
    w = jnp.take(week_w, week, axis=0)
    h = jnp.take(hour_w, hour, axis=0)
    d = jnp.take(dur_w, duration, axis=0)
    return jnp.concatenate([t, w, h, d], axis=-1)

if __name__ == "__main__":
    import jax
    _d = setup_inputs()
    print(jax.jit(kernel)(*tuple(_d.values())))

</pallas_src>

<mosaic_0001>
#map = affine_map<(d0, d1) -> (0)>
#map1 = affine_map<(d0, d1) -> (0, 0)>
#map2 = affine_map<(d0, d1) -> (0, 0, 0)>
module attributes {stable_mosaic.version = 14 : i64} {
  func.func @_body(%arg0: i32, %arg1: i32, %arg2: memref<819200xi32, #tpu.memory_space<hbm>>, %arg3: memref<819200xi32, #tpu.memory_space<hbm>>, %arg4: memref<1000000x128xf32, #tpu.memory_space<hbm>>, %arg5: memref<112xf32, #tpu.memory_space<hbm>>, %arg6: memref<384xf32, #tpu.memory_space<hbm>>, %arg7: memref<384xf32, #tpu.memory_space<hbm>>, %arg8: memref<4096x200x112xf32, #tpu.memory_space<hbm>>, %arg9: memref<200xi32, #tpu.memory_space<vmem>>, %arg10: memref<200xi32, #tpu.memory_space<vmem>>, %arg11: memref<200xi32, #tpu.memory_space<vmem>>, %arg12: memref<200xi32, #tpu.memory_space<vmem>>, %arg13: memref<112xf32, #tpu.memory_space<vmem>>, %arg14: memref<384xf32, #tpu.memory_space<vmem>>, %arg15: memref<384xf32, #tpu.memory_space<vmem>>, %arg16: memref<200x128xf32, #tpu.memory_space<vmem>>, %arg17: memref<200x128xf32, #tpu.memory_space<vmem>>, %arg18: memref<200x112xf32, #tpu.memory_space<vmem>>, %arg19: memref<200x112xf32, #tpu.memory_space<vmem>>, %arg20: memref<!tpu.dma_semaphore, #tpu.memory_space<semaphore_mem>>, %arg21: memref<!tpu.dma_semaphore, #tpu.memory_space<semaphore_mem>>, %arg22: memref<!tpu.dma_semaphore, #tpu.memory_space<semaphore_mem>>) attributes {dimension_semantics = [#tpu.dimension_semantics<core_parallel>, #tpu.dimension_semantics<subcore_parallel>], iteration_bounds = array<i64: 2, 16>, scalar_prefetch = 0 : i64, scratch_operands = 14 : i64, tpu.core_type = #tpu.core_type<sc_vector_subcore>, window_params = [{transform_indices = #map}, {transform_indices = #map}, {transform_indices = #map1}, {transform_indices = #map}, {transform_indices = #map}, {transform_indices = #map}, {transform_indices = #map2}]} {
    %mul3A = arith.constant 2 : i32
    %mul3A_0 = arith.muli %arg1, %mul3A : i32
    %add3A = arith.addi %mul3A_0, %arg0 : i32
    %iota3A = tpu.iota {dimensions = array<i32: 0>} : vector<16xi32>
    %mul3A_1 = arith.constant 25600 : i32
    %mul3A_2 = arith.muli %add3A, %mul3A_1 : i32
    "tpu.region"() ({
      %run_scoped3A = tpu.sem_alloc : memref<!tpu.dma_semaphore, #tpu.memory_space<semaphore_mem>>
      tpu.enqueue_dma source(%arg5 : memref<112xf32, #tpu.memory_space<hbm>>) target(%arg13 : memref<112xf32, #tpu.memory_space<vmem>>) target_semaphore(%run_scoped3A : memref<!tpu.dma_semaphore, #tpu.memory_space<semaphore_mem>>)
      tpu.wait_dma2 semaphore(%run_scoped3A : memref<!tpu.dma_semaphore, #tpu.memory_space<semaphore_mem>>) src(%arg5 : memref<112xf32, #tpu.memory_space<hbm>>) dst(%arg13 : memref<112xf32, #tpu.memory_space<vmem>>)
      tpu.yield
    }) : () -> ()
    "tpu.region"() ({
      %run_scoped3A = tpu.sem_alloc : memref<!tpu.dma_semaphore, #tpu.memory_space<semaphore_mem>>
      tpu.enqueue_dma source(%arg6 : memref<384xf32, #tpu.memory_space<hbm>>) target(%arg14 : memref<384xf32, #tpu.memory_space<vmem>>) target_semaphore(%run_scoped3A : memref<!tpu.dma_semaphore, #tpu.memory_space<semaphore_mem>>)
      tpu.wait_dma2 semaphore(%run_scoped3A : memref<!tpu.dma_semaphore, #tpu.memory_space<semaphore_mem>>) src(%arg6 : memref<384xf32, #tpu.memory_space<hbm>>) dst(%arg14 : memref<384xf32, #tpu.memory_space<vmem>>)
      tpu.yield
    }) : () -> ()
    "tpu.region"() ({
      %run_scoped3A = tpu.sem_alloc : memref<!tpu.dma_semaphore, #tpu.memory_space<semaphore_mem>>
      tpu.enqueue_dma source(%arg7 : memref<384xf32, #tpu.memory_space<hbm>>) target(%arg15 : memref<384xf32, #tpu.memory_space<vmem>>) target_semaphore(%run_scoped3A : memref<!tpu.dma_semaphore, #tpu.memory_space<semaphore_mem>>)
      tpu.wait_dma2 semaphore(%run_scoped3A : memref<!tpu.dma_semaphore, #tpu.memory_space<semaphore_mem>>) src(%arg7 : memref<384xf32, #tpu.memory_space<hbm>>) dst(%arg15 : memref<384xf32, #tpu.memory_space<vmem>>)
      tpu.yield
    }) : () -> ()
    %add3A_3 = arith.constant 0 : i32
    %add3A_4 = arith.addi %mul3A_2, %add3A_3 : i32
    %dma_start3A = tpu.memref_slice %arg2[%add3A_4] : memref<819200xi32, #tpu.memory_space<hbm>> -> memref<200xi32, #tpu.memory_space<hbm>>
    %dma_start3A_5 = tpu.memref_slice %arg2[%add3A_4] : memref<819200xi32, #tpu.memory_space<hbm>> -> memref<200xi32, #tpu.memory_space<hbm>>
    tpu.enqueue_dma source(%dma_start3A_5 : memref<200xi32, #tpu.memory_space<hbm>>) target(%arg9 : memref<200xi32, #tpu.memory_space<vmem>>) target_semaphore(%arg22 : memref<!tpu.dma_semaphore, #tpu.memory_space<semaphore_mem>>)
    %dma_start3A_6 = tpu.memref_slice %arg3[%add3A_4] : memref<819200xi32, #tpu.memory_space<hbm>> -> memref<200xi32, #tpu.memory_space<hbm>>
    %dma_start3A_7 = tpu.memref_slice %arg3[%add3A_4] : memref<819200xi32, #tpu.memory_space<hbm>> -> memref<200xi32, #tpu.memory_space<hbm>>
    tpu.enqueue_dma source(%dma_start3A_7 : memref<200xi32, #tpu.memory_space<hbm>>) target(%arg11 : memref<200xi32, #tpu.memory_space<vmem>>) target_semaphore(%arg22 : memref<!tpu.dma_semaphore, #tpu.memory_space<semaphore_mem>>)
    %dma_wait3A = arith.constant 0 : i32
    %dma_wait3A_8 = tpu.memref_slice %arg2[%dma_wait3A] : memref<819200xi32, #tpu.memory_space<hbm>> -> memref<200xi32, #tpu.memory_space<hbm>>
    %dma_wait3A_9 = arith.constant 0 : i32
    %dma_wait3A_10 = tpu.memref_slice %arg2[%dma_wait3A_9] : memref<819200xi32, #tpu.memory_space<hbm>> -> memref<200xi32, #tpu.memory_space<hbm>>
    tpu.wait_dma2 semaphore(%arg22 : memref<!tpu.dma_semaphore, #tpu.memory_space<semaphore_mem>>) src(%dma_wait3A_10 : memref<200xi32, #tpu.memory_space<hbm>>) dst(%arg9 : memref<200xi32, #tpu.memory_space<vmem>>)
    %dma_wait3A_11 = arith.constant 0 : i32
    %dma_wait3A_12 = tpu.memref_slice %arg3[%dma_wait3A_11] : memref<819200xi32, #tpu.memory_space<hbm>> -> memref<200xi32, #tpu.memory_space<hbm>>
    %dma_wait3A_13 = arith.constant 0 : i32
    %dma_wait3A_14 = tpu.memref_slice %arg3[%dma_wait3A_13] : memref<819200xi32, #tpu.memory_space<hbm>> -> memref<200xi32, #tpu.memory_space<hbm>>
    tpu.wait_dma2 semaphore(%arg22 : memref<!tpu.dma_semaphore, #tpu.memory_space<semaphore_mem>>) src(%dma_wait3A_14 : memref<200xi32, #tpu.memory_space<hbm>>) dst(%arg11 : memref<200xi32, #tpu.memory_space<vmem>>)
    %dma_start3A_15 = arith.constant 0 : i32
    %dma_start3A_16 = arith.constant 0 : i32
    %dma_start3A_17 = tpu.memref_slice %arg16[%dma_start3A_15, %dma_start3A_16] : memref<200x128xf32, #tpu.memory_space<vmem>> -> memref<128x128xf32, #tpu.memory_space<vmem>>
    %dma_start3A_18 = arith.constant 0 : i32
    %dma_start3A_19 = tpu.memref_slice %arg9[%dma_start3A_18] : memref<200xi32, #tpu.memory_space<vmem>> -> memref<128xi32, #tpu.memory_space<vmem>>
    %dma_start3A_20 = arith.constant 0 : i32
    %dma_start3A_21 = arith.constant 0 : i32
    %dma_start3A_22 = tpu.memref_slice %arg4[%dma_start3A_20, %dma_start3A_21] : memref<1000000x128xf32, #tpu.memory_space<hbm>> -> memref<1000000x128xf32, #tpu.memory_space<hbm>>
    tpu.enqueue_indirect_dma source(%dma_start3A_22 : memref<1000000x128xf32, #tpu.memory_space<hbm>>) target(%dma_start3A_17 : memref<128x128xf32, #tpu.memory_space<vmem>>) offsets(%dma_start3A_19 : memref<128xi32, #tpu.memory_space<vmem>>) semaphore(%arg20 : memref<!tpu.dma_semaphore, #tpu.memory_space<semaphore_mem>>)
    %dma_start3A_23 = arith.constant 128 : i32
    %dma_start3A_24 = arith.constant 0 : i32
    %dma_start3A_25 = tpu.memref_slice %arg16[%dma_start3A_23, %dma_start3A_24] : memref<200x128xf32, #tpu.memory_space<vmem>> -> memref<72x128xf32, #tpu.memory_space<vmem>>
    %dma_start3A_26 = arith.constant 128 : i32
    %dma_start3A_27 = tpu.memref_slice %arg9[%dma_start3A_26] : memref<200xi32, #tpu.memory_space<vmem>> -> memref<72xi32, #tpu.memory_space<vmem>>
    %dma_start3A_28 = arith.constant 0 : i32
    %dma_start3A_29 = arith.constant 0 : i32
    %dma_start3A_30 = tpu.memref_slice %arg4[%dma_start3A_28, %dma_start3A_29] : memref<1000000x128xf32, #tpu.memory_space<hbm>> -> memref<1000000x128xf32, #tpu.memory_space<hbm>>
    tpu.enqueue_indirect_dma source(%dma_start3A_30 : memref<1000000x128xf32, #tpu.memory_space<hbm>>) target(%dma_start3A_25 : memref<72x128xf32, #tpu.memory_space<vmem>>) offsets(%dma_start3A_27 : memref<72xi32, #tpu.memory_space<vmem>>) semaphore(%arg20 : memref<!tpu.dma_semaphore, #tpu.memory_space<semaphore_mem>>)
    %add3A_31 = arith.constant 200 : i32
    %add3A_32 = arith.addi %mul3A_2, %add3A_31 : i32
    %dma_start3A_33 = tpu.memref_slice %arg2[%add3A_32] : memref<819200xi32, #tpu.memory_space<hbm>> -> memref<200xi32, #tpu.memory_space<hbm>>
    %dma_start3A_34 = tpu.memref_slice %arg2[%add3A_32] : memref<819200xi32, #tpu.memory_space<hbm>> -> memref<200xi32, #tpu.memory_space<hbm>>
    tpu.enqueue_dma source(%dma_start3A_34 : memref<200xi32, #tpu.memory_space<hbm>>) target(%arg10 : memref<200xi32, #tpu.memory_space<vmem>>) target_semaphore(%arg22 : memref<!tpu.dma_semaphore, #tpu.memory_space<semaphore_mem>>)
    %dma_start3A_35 = tpu.memref_slice %arg3[%add3A_32] : memref<819200xi32, #tpu.memory_space<hbm>> -> memref<200xi32, #tpu.memory_space<hbm>>
    %dma_start3A_36 = tpu.memref_slice %arg3[%add3A_32] : memref<819200xi32, #tpu.memory_space<hbm>> -> memref<200xi32, #tpu.memory_space<hbm>>
    tpu.enqueue_dma source(%dma_start3A_36 : memref<200xi32, #tpu.memory_space<hbm>>) target(%arg12 : memref<200xi32, #tpu.memory_space<vmem>>) target_semaphore(%arg22 : memref<!tpu.dma_semaphore, #tpu.memory_space<semaphore_mem>>)
    %scan3A = arith.constant 0 : i32
    %scan3A_37 = arith.constant 0 : i32
    %scan3A_38 = arith.constant 64 : i32
    %scan3A_39 = arith.addi %scan3A_37, %scan3A_38 : i32
    %scan3A_40 = arith.constant 1 : i32
    scf.for %scan3A_58 = %scan3A_37 to %scan3A_39 step %scan3A_40  : i32 {
      %mul3A_59 = arith.constant 2 : i32
      %mul3A_60 = arith.muli %mul3A_59, %scan3A_58 : i32
      %mul3A_61 = arith.constant 200 : i32
      %mul3A_62 = arith.muli %mul3A_60, %mul3A_61 : i32
      %add3A_63 = arith.addi %mul3A_2, %mul3A_62 : i32
      %ge3A = arith.constant 2 : i32
      %ge3A_64 = arith.cmpi sge, %mul3A_60, %ge3A : i32
      %convert_element_type3A = arith.extui %ge3A_64 : i1 to i32
      %cond3A = arith.constant 0 : i32
      %cond3A_65 = arith.cmpi ne, %convert_element_type3A, %cond3A : i32
      scf.if %cond3A_65 {
        %dma_wait3A_177 = tpu.memref_reshape %arg8 : memref<4096x200x112xf32, #tpu.memory_space<hbm>> -> memref<819200x112xf32, #tpu.memory_space<hbm>>
        %dma_wait3A_178 = arith.constant 0 : i32
        %dma_wait3A_179 = arith.constant 0 : i32
        %dma_wait3A_180 = tpu.memref_slice %dma_wait3A_177[%dma_wait3A_178, %dma_wait3A_179] : memref<819200x112xf32, #tpu.memory_space<hbm>> -> memref<200x112xf32, #tpu.memory_space<hbm>>
        %dma_wait3A_181 = tpu.memref_reshape %arg8 : memref<4096x200x112xf32, #tpu.memory_space<hbm>> -> memref<819200x112xf32, #tpu.memory_space<hbm>>
        %dma_wait3A_182 = arith.constant 0 : i32
        %dma_wait3A_183 = arith.constant 0 : i32
        %dma_wait3A_184 = tpu.memref_slice %dma_wait3A_181[%dma_wait3A_182, %dma_wait3A_183] : memref<819200x112xf32, #tpu.memory_space<hbm>> -> memref<200x112xf32, #tpu.memory_space<hbm>>
        tpu.wait_dma2 semaphore(%arg21 : memref<!tpu.dma_semaphore, #tpu.memory_space<semaphore_mem>>) src(%arg18 : memref<200x112xf32, #tpu.memory_space<vmem>>) dst(%dma_wait3A_184 : memref<200x112xf32, #tpu.memory_space<hbm>>)
      } else {
      }
      %dma_wait3A_66 = arith.constant 0 : i32
      %dma_wait3A_67 = arith.constant 0 : i32
      %dma_wait3A_68 = tpu.memref_slice %arg16[%dma_wait3A_66, %dma_wait3A_67] : memref<200x128xf32, #tpu.memory_space<vmem>> -> memref<128x128xf32, #tpu.memory_space<vmem>>
      %dma_wait3A_69 = arith.constant 0 : i32
      %dma_wait3A_70 = arith.constant 0 : i32
      %dma_wait3A_71 = tpu.memref_slice %arg4[%dma_wait3A_69, %dma_wait3A_70] : memref<1000000x128xf32, #tpu.memory_space<hbm>> -> memref<128x128xf32, #tpu.memory_space<hbm>>
      %dma_wait3A_72 = arith.constant 0 : i32
      %dma_wait3A_73 = arith.constant 0 : i32
      %dma_wait3A_74 = tpu.memref_slice %arg16[%dma_wait3A_72, %dma_wait3A_73] : memref<200x128xf32, #tpu.memory_space<vmem>> -> memref<128x128xf32, #tpu.memory_space<vmem>>
      %dma_wait3A_75 = arith.constant 0 : i32
      %dma_wait3A_76 = arith.constant 0 : i32
      %dma_wait3A_77 = tpu.memref_slice %arg4[%dma_wait3A_75, %dma_wait3A_76] : memref<1000000x128xf32, #tpu.memory_space<hbm>> -> memref<128x128xf32, #tpu.memory_space<hbm>>
      tpu.wait_dma2 semaphore(%arg20 : memref<!tpu.dma_semaphore, #tpu.memory_space<semaphore_mem>>) src(%dma_wait3A_77 : memref<128x128xf32, #tpu.memory_space<hbm>>) dst(%dma_wait3A_74 : memref<128x128xf32, #tpu.memory_space<vmem>>)
      %dma_wait3A_78 = arith.constant 128 : i32
      %dma_wait3A_79 = arith.constant 0 : i32
      %dma_wait3A_80 = tpu.memref_slice %arg16[%dma_wait3A_78, %dma_wait3A_79] : memref<200x128xf32, #tpu.memory_space<vmem>> -> memref<72x128xf32, #tpu.memory_space<vmem>>
      %dma_wait3A_81 = arith.constant 0 : i32
      %dma_wait3A_82 = arith.constant 0 : i32
      %dma_wait3A_83 = tpu.memref_slice %arg4[%dma_wait3A_81, %dma_wait3A_82] : memref<1000000x128xf32, #tpu.memory_space<hbm>> -> memref<72x128xf32, #tpu.memory_space<hbm>>
      %dma_wait3A_84 = arith.constant 128 : i32
      %dma_wait3A_85 = arith.constant 0 : i32
      %dma_wait3A_86 = tpu.memref_slice %arg16[%dma_wait3A_84, %dma_wait3A_85] : memref<200x128xf32, #tpu.memory_space<vmem>> -> memref<72x128xf32, #tpu.memory_space<vmem>>
      %dma_wait3A_87 = arith.constant 0 : i32
      %dma_wait3A_88 = arith.constant 0 : i32
      %dma_wait3A_89 = tpu.memref_slice %arg4[%dma_wait3A_87, %dma_wait3A_88] : memref<1000000x128xf32, #tpu.memory_space<hbm>> -> memref<72x128xf32, #tpu.memory_space<hbm>>
      tpu.wait_dma2 semaphore(%arg20 : memref<!tpu.dma_semaphore, #tpu.memory_space<semaphore_mem>>) src(%dma_wait3A_89 : memref<72x128xf32, #tpu.memory_space<hbm>>) dst(%dma_wait3A_86 : memref<72x128xf32, #tpu.memory_space<vmem>>)
      %add3A_90 = arith.constant 1 : i32
      %add3A_91 = arith.addi %mul3A_60, %add3A_90 : i32
      %lt3A = arith.constant 128 : i32
      %lt3A_92 = arith.cmpi slt, %add3A_91, %lt3A : i32
      %convert_element_type3A_93 = arith.extui %lt3A_92 : i1 to i32
      %cond3A_94 = arith.constant 0 : i32
      %cond3A_95 = arith.cmpi ne, %convert_element_type3A_93, %cond3A_94 : i32
      scf.if %cond3A_95 {
        %dma_wait3A_177 = arith.constant 0 : i32
        %dma_wait3A_178 = tpu.memref_slice %arg2[%dma_wait3A_177] : memref<819200xi32, #tpu.memory_space<hbm>> -> memref<200xi32, #tpu.memory_space<hbm>>
        %dma_wait3A_179 = arith.constant 0 : i32
        %dma_wait3A_180 = tpu.memref_slice %arg2[%dma_wait3A_179] : memref<819200xi32, #tpu.memory_space<hbm>> -> memref<200xi32, #tpu.memory_space<hbm>>
        tpu.wait_dma2 semaphore(%arg22 : memref<!tpu.dma_semaphore, #tpu.memory_space<semaphore_mem>>) src(%dma_wait3A_180 : memref<200xi32, #tpu.memory_space<hbm>>) dst(%arg10 : memref<200xi32, #tpu.memory_space<vmem>>)
        %dma_wait3A_181 = arith.constant 0 : i32
        %dma_wait3A_182 = tpu.memref_slice %arg3[%dma_wait3A_181] : memref<819200xi32, #tpu.memory_space<hbm>> -> memref<200xi32, #tpu.memory_space<hbm>>
        %dma_wait3A_183 = arith.constant 0 : i32
        %dma_wait3A_184 = tpu.memref_slice %arg3[%dma_wait3A_183] : memref<819200xi32, #tpu.memory_space<hbm>> -> memref<200xi32, #tpu.memory_space<hbm>>
        tpu.wait_dma2 semaphore(%arg22 : memref<!tpu.dma_semaphore, #tpu.memory_space<semaphore_mem>>) src(%dma_wait3A_184 : memref<200xi32, #tpu.memory_space<hbm>>) dst(%arg12 : memref<200xi32, #tpu.memory_space<vmem>>)
        %dma_start3A_185 = arith.constant 0 : i32
        %dma_start3A_186 = arith.constant 0 : i32
        %dma_start3A_187 = tpu.memref_slice %arg17[%dma_start3A_185, %dma_start3A_186] : memref<200x128xf32, #tpu.memory_space<vmem>> -> memref<128x128xf32, #tpu.memory_space<vmem>>
        %dma_start3A_188 = arith.constant 0 : i32
        %dma_start3A_189 = tpu.memref_slice %arg10[%dma_start3A_188] : memref<200xi32, #tpu.memory_space<vmem>> -> memref<128xi32, #tpu.memory_space<vmem>>
        %dma_start3A_190 = arith.constant 0 : i32
        %dma_start3A_191 = arith.constant 0 : i32
        %dma_start3A_192 = tpu.memref_slice %arg4[%dma_start3A_190, %dma_start3A_191] : memref<1000000x128xf32, #tpu.memory_space<hbm>> -> memref<1000000x128xf32, #tpu.memory_space<hbm>>
        tpu.enqueue_indirect_dma source(%dma_start3A_192 : memref<1000000x128xf32, #tpu.memory_space<hbm>>) target(%dma_start3A_187 : memref<128x128xf32, #tpu.memory_space<vmem>>) offsets(%dma_start3A_189 : memref<128xi32, #tpu.memory_space<vmem>>) semaphore(%arg20 : memref<!tpu.dma_semaphore, #tpu.memory_space<semaphore_mem>>)
        %dma_start3A_193 = arith.constant 128 : i32
        %dma_start3A_194 = arith.constant 0 : i32
        %dma_start3A_195 = tpu.memref_slice %arg17[%dma_start3A_193, %dma_start3A_194] : memref<200x128xf32, #tpu.memory_space<vmem>> -> memref<72x128xf32, #tpu.memory_space<vmem>>
        %dma_start3A_196 = arith.constant 128 : i32
        %dma_start3A_197 = tpu.memref_slice %arg10[%dma_start3A_196] : memref<200xi32, #tpu.memory_space<vmem>> -> memref<72xi32, #tpu.memory_space<vmem>>
        %dma_start3A_198 = arith.constant 0 : i32
        %dma_start3A_199 = arith.constant 0 : i32
        %dma_start3A_200 = tpu.memref_slice %arg4[%dma_start3A_198, %dma_start3A_199] : memref<1000000x128xf32, #tpu.memory_space<hbm>> -> memref<1000000x128xf32, #tpu.memory_space<hbm>>
        tpu.enqueue_indirect_dma source(%dma_start3A_200 : memref<1000000x128xf32, #tpu.memory_space<hbm>>) target(%dma_start3A_195 : memref<72x128xf32, #tpu.memory_space<vmem>>) offsets(%dma_start3A_197 : memref<72xi32, #tpu.memory_space<vmem>>) semaphore(%arg20 : memref<!tpu.dma_semaphore, #tpu.memory_space<semaphore_mem>>)
      } else {
      }
      %scan3A_96 = arith.constant 0 : i32
      %scan3A_97 = arith.constant 0 : i32
      %scan3A_98 = arith.constant 200 : i32
      %scan3A_99 = arith.addi %scan3A_97, %scan3A_98 : i32
      %scan3A_100 = arith.constant 4 : i32
      scf.for %scan3A_177 = %scan3A_97 to %scan3A_99 step %scan3A_100  : i32 {
        %broadcast_in_dim3A = vector.broadcast %scan3A_177 : i32 to vector<16xi32>
        %gather3A = tpu.vector_load_idx %arg11[%broadcast_in_dim3A] : memref<200xi32, #tpu.memory_space<vmem>>[vector<16xi32>], vector<16xi32>,
        %get3A = arith.index_cast %scan3A_177 : i32 to index
        %get3A_178 = arith.constant 0 : index
        %get3A_179 = tpu.vector_load %arg16[%get3A, %get3A_178] {strides = array<i32>} : memref<200x128xf32, #tpu.memory_space<vmem>>, vector<16xf32>,
        %swap3A = arith.index_cast %scan3A_177 : i32 to index
        %swap3A_180 = arith.constant 0 : index
        %swap3A_181 = tpu.vector_load %arg18[%swap3A, %swap3A_180] {strides = array<i32>} : memref<200x112xf32, #tpu.memory_space<vmem>>, vector<16xf32>,
        tpu.vector_store %arg18[%swap3A, %swap3A_180], %get3A_179 {strides = array<i32>} : memref<200x112xf32, #tpu.memory_space<vmem>>, vector<16xf32>,
        %get3A_182 = arith.index_cast %scan3A_177 : i32 to index
        %get3A_183 = arith.constant 16 : index
        %get3A_184 = tpu.vector_load %arg16[%get3A_182, %get3A_183] {strides = array<i32>} : memref<200x128xf32, #tpu.memory_space<vmem>>, vector<16xf32>,
        %swap3A_185 = arith.index_cast %scan3A_177 : i32 to index
        %swap3A_186 = arith.constant 16 : index
        %swap3A_187 = tpu.vector_load %arg18[%swap3A_185, %swap3A_186] {strides = array<i32>} : memref<200x112xf32, #tpu.memory_space<vmem>>, vector<16xf32>,
        tpu.vector_store %arg18[%swap3A_185, %swap3A_186], %get3A_184 {strides = array<i32>} : memref<200x112xf32, #tpu.memory_space<vmem>>, vector<16xf32>,
        %get3A_188 = arith.index_cast %scan3A_177 : i32 to index
        %get3A_189 = arith.constant 32 : index
        %get3A_190 = tpu.vector_load %arg16[%get3A_188, %get3A_189] {strides = array<i32>} : memref<200x128xf32, #tpu.memory_space<vmem>>, vector<16xf32>,
        %swap3A_191 = arith.index_cast %scan3A_177 : i32 to index
        %swap3A_192 = arith.constant 32 : index
        %swap3A_193 = tpu.vector_load %arg18[%swap3A_191, %swap3A_192] {strides = array<i32>} : memref<200x112xf32, #tpu.memory_space<vmem>>, vector<16xf32>,
        tpu.vector_store %arg18[%swap3A_191, %swap3A_192], %get3A_190 {strides = array<i32>} : memref<200x112xf32, #tpu.memory_space<vmem>>, vector<16xf32>,
        %get3A_194 = arith.index_cast %scan3A_177 : i32 to index
        %get3A_195 = arith.constant 48 : index
        %get3A_196 = tpu.vector_load %arg16[%get3A_194, %get3A_195] {strides = array<i32>} : memref<200x128xf32, #tpu.memory_space<vmem>>, vector<16xf32>,
        %swap3A_197 = arith.index_cast %scan3A_177 : i32 to index
        %swap3A_198 = arith.constant 48 : index
        %swap3A_199 = tpu.vector_load %arg18[%swap3A_197, %swap3A_198] {strides = array<i32>} : memref<200x112xf32, #tpu.memory_space<vmem>>, vector<16xf32>,
        tpu.vector_store %arg18[%swap3A_197, %swap3A_198], %get3A_196 {strides = array<i32>} : memref<200x112xf32, #tpu.memory_space<vmem>>, vector<16xf32>,
        %shift_right_logical3A = arith.constant 18 : i32
        %shift_right_logical3A_200 = vector.broadcast %shift_right_logical3A : i32 to vector<16xi32>
        %shift_right_logical3A_201 = arith.shrui %gather3A, %shift_right_logical3A_200 : vector<16xi32>
        %add3A_202 = arith.addi %shift_right_logical3A_201, %iota3A : vector<16xi32>
        %gather3A_203 = tpu.vector_load_idx %arg13[%add3A_202] : memref<112xf32, #tpu.memory_space<vmem>>[vector<16xi32>], vector<16xf32>,
        %swap3A_204 = arith.index_cast %scan3A_177 : i32 to index
        %swap3A_205 = arith.constant 64 : index
        %swap3A_206 = tpu.vector_load %arg18[%swap3A_204, %swap3A_205] {strides = array<i32>} : memref<200x112xf32, #tpu.memory_space<vmem>>, vector<16xf32>,
        tpu.vector_store %arg18[%swap3A_204, %swap3A_205], %gather3A_203 {strides = array<i32>} : memref<200x112xf32, #tpu.memory_space<vmem>>, vector<16xf32>,
        %shift_right_logical3A_207 = arith.constant 9 : i32
        %shift_right_logical3A_208 = vector.broadcast %shift_right_logical3A_207 : i32 to vector<16xi32>
        %shift_right_logical3A_209 = arith.shrui %gather3A, %shift_right_logical3A_208 : vector<16xi32>
        %and3A = arith.constant 511 : i32
        %and3A_210 = vector.broadcast %and3A : i32 to vector<16xi32>
        %and3A_211 = arith.andi %shift_right_logical3A_209, %and3A_210 : vector<16xi32>
        %add3A_212 = arith.addi %and3A_211, %iota3A : vector<16xi32>
        %gather3A_213 = tpu.vector_load_idx %arg14[%add3A_212] : memref<384xf32, #tpu.memory_space<vmem>>[vector<16xi32>], vector<16xf32>,
        %swap3A_214 = arith.index_cast %scan3A_177 : i32 to index
        %swap3A_215 = arith.constant 80 : index
        %swap3A_216 = tpu.vector_load %arg18[%swap3A_214, %swap3A_215] {strides = array<i32>} : memref<200x112xf32, #tpu.memory_space<vmem>>, vector<16xf32>,
        tpu.vector_store %arg18[%swap3A_214, %swap3A_215], %gather3A_213 {strides = array<i32>} : memref<200x112xf32, #tpu.memory_space<vmem>>, vector<16xf32>,
        %and3A_217 = arith.constant 511 : i32
        %and3A_218 = vector.broadcast %and3A_217 : i32 to vector<16xi32>
        %and3A_219 = arith.andi %gather3A, %and3A_218 : vector<16xi32>
        %add3A_220 = arith.addi %and3A_219, %iota3A : vector<16xi32>
        %gather3A_221 = tpu.vector_load_idx %arg15[%add3A_220] : memref<384xf32, #tpu.memory_space<vmem>>[vector<16xi32>], vector<16xf32>,
        %swap3A_222 = arith.index_cast %scan3A_177 : i32 to index
        %swap3A_223 = arith.constant 96 : index
        %swap3A_224 = tpu.vector_load %arg18[%swap3A_222, %swap3A_223] {strides = array<i32>} : memref<200x112xf32, #tpu.memory_space<vmem>>, vector<16xf32>,
        tpu.vector_store %arg18[%swap3A_222, %swap3A_223], %gather3A_221 {strides = array<i32>} : memref<200x112xf32, #tpu.memory_space<vmem>>, vector<16xf32>,
        %scan3A_225 = arith.constant 1 : i32
        %scan3A_226 = arith.addi %scan3A_177, %scan3A_225 : i32
        %broadcast_in_dim3A_227 = vector.broadcast %scan3A_226 : i32 to vector<16xi32>
        %gather3A_228 = tpu.vector_load_idx %arg11[%broadcast_in_dim3A_227] : memref<200xi32, #tpu.memory_space<vmem>>[vector<16xi32>], vector<16xi32>,
        %get3A_229 = arith.index_cast %scan3A_226 : i32 to index
        %get3A_230 = arith.constant 0 : index
        %get3A_231 = tpu.vector_load %arg16[%get3A_229, %get3A_230] {strides = array<i32>} : memref<200x128xf32, #tpu.memory_space<vmem>>, vector<16xf32>,
        %swap3A_232 = arith.index_cast %scan3A_226 : i32 to index
        %swap3A_233 = arith.constant 0 : index
        %swap3A_234 = tpu.vector_load %arg18[%swap3A_232, %swap3A_233] {strides = array<i32>} : memref<200x112xf32, #tpu.memory_space<vmem>>, vector<16xf32>,
        tpu.vector_store %arg18[%swap3A_232, %swap3A_233], %get3A_231 {strides = array<i32>} : memref<200x112xf32, #tpu.memory_space<vmem>>, vector<16xf32>,
        %get3A_235 = arith.index_cast %scan3A_226 : i32 to index
        %get3A_236 = arith.constant 16 : index
        %get3A_237 = tpu.vector_load %arg16[%get3A_235, %get3A_236] {strides = array<i32>} : memref<200x128xf32, #tpu.memory_space<vmem>>, vector<16xf32>,
        %swap3A_238 = arith.index_cast %scan3A_226 : i32 to index
        %swap3A_239 = arith.constant 16 : index
        %swap3A_240 = tpu.vector_load %arg18[%swap3A_238, %swap3A_239] {strides = array<i32>} : memref<200x112xf32, #tpu.memory_space<vmem>>, vector<16xf32>,
        tpu.vector_store %arg18[%swap3A_238, %swap3A_239], %get3A_237 {strides = array<i32>} : memref<200x112xf32, #tpu.memory_space<vmem>>, vector<16xf32>,
        %get3A_241 = arith.index_cast %scan3A_226 : i32 to index
        %get3A_242 = arith.constant 32 : index
        %get3A_243 = tpu.vector_load %arg16[%get3A_241, %get3A_242] {strides = array<i32>} : memref<200x128xf32, #tpu.memory_space<vmem>>, vector<16xf32>,
        %swap3A_244 = arith.index_cast %scan3A_226 : i32 to index
        %swap3A_245 = arith.constant 32 : index
        %swap3A_246 = tpu.vector_load %arg18[%swap3A_244, %swap3A_245] {strides = array<i32>} : memref<200x112xf32, #tpu.memory_space<vmem>>, vector<16xf32>,
        tpu.vector_store %arg18[%swap3A_244, %swap3A_245], %get3A_243 {strides = array<i32>} : memref<200x112xf32, #tpu.memory_space<vmem>>, vector<16xf32>,
        %get3A_247 = arith.index_cast %scan3A_226 : i32 to index
        %get3A_248 = arith.constant 48 : index
        %get3A_249 = tpu.vector_load %arg16[%get3A_247, %get3A_248] {strides = array<i32>} : memref<200x128xf32, #tpu.memory_space<vmem>>, vector<16xf32>,
        %swap3A_250 = arith.index_cast %scan3A_226 : i32 to index
        %swap3A_251 = arith.constant 48 : index
        %swap3A_252 = tpu.vector_load %arg18[%swap3A_250, %swap3A_251] {strides = array<i32>} : memref<200x112xf32, #tpu.memory_space<vmem>>, vector<16xf32>,
        tpu.vector_store %arg18[%swap3A_250, %swap3A_251], %get3A_249 {strides = array<i32>} : memref<200x112xf32, #tpu.memory_space<vmem>>, vector<16xf32>,
        %shift_right_logical3A_253 = arith.constant 18 : i32
        %shift_right_logical3A_254 = vector.broadcast %shift_right_logical3A_253 : i32 to vector<16xi32>
        %shift_right_logical3A_255 = arith.shrui %gather3A_228, %shift_right_logical3A_254 : vector<16xi32>
        %add3A_256 = arith.addi %shift_right_logical3A_255, %iota3A : vector<16xi32>
        %gather3A_257 = tpu.vector_load_idx %arg13[%add3A_256] : memref<112xf32, #tpu.memory_space<vmem>>[vector<16xi32>], vector<16xf32>,
        %swap3A_258 = arith.index_cast %scan3A_226 : i32 to index
        %swap3A_259 = arith.constant 64 : index
        %swap3A_260 = tpu.vector_load %arg18[%swap3A_258, %swap3A_259] {strides = array<i32>} : memref<200x112xf32, #tpu.memory_space<vmem>>, vector<16xf32>,
        tpu.vector_store %arg18[%swap3A_258, %swap3A_259], %gather3A_257 {strides = array<i32>} : memref<200x112xf32, #tpu.memory_space<vmem>>, vector<16xf32>,
        %shift_right_logical3A_261 = arith.constant 9 : i32
        %shift_right_logical3A_262 = vector.broadcast %shift_right_logical3A_261 : i32 to vector<16xi32>
        %shift_right_logical3A_263 = arith.shrui %gather3A_228, %shift_right_logical3A_262 : vector<16xi32>
        %and3A_264 = arith.constant 511 : i32
        %and3A_265 = vector.broadcast %and3A_264 : i32 to vector<16xi32>
        %and3A_266 = arith.andi %shift_right_logical3A_263, %and3A_265 : vector<16xi32>
        %add3A_267 = arith.addi %and3A_266, %iota3A : vector<16xi32>
        %gather3A_268 = tpu.vector_load_idx %arg14[%add3A_267] : memref<384xf32, #tpu.memory_space<vmem>>[vector<16xi32>], vector<16xf32>,
        %swap3A_269 = arith.index_cast %scan3A_226 : i32 to index
        %swap3A_270 = arith.constant 80 : index
        %swap3A_271 = tpu.vector_load %arg18[%swap3A_269, %swap3A_270] {strides = array<i32>} : memref<200x112xf32, #tpu.memory_space<vmem>>, vector<16xf32>,
        tpu.vector_store %arg18[%swap3A_269, %swap3A_270], %gather3A_268 {strides = array<i32>} : memref<200x112xf32, #tpu.memory_space<vmem>>, vector<16xf32>,
        %and3A_272 = arith.constant 511 : i32
        %and3A_273 = vector.broadcast %and3A_272 : i32 to vector<16xi32>
        %and3A_274 = arith.andi %gather3A_228, %and3A_273 : vector<16xi32>
        %add3A_275 = arith.addi %and3A_274, %iota3A : vector<16xi32>
        %gather3A_276 = tpu.vector_load_idx %arg15[%add3A_275] : memref<384xf32, #tpu.memory_space<vmem>>[vector<16xi32>], vector<16xf32>,
        %swap3A_277 = arith.index_cast %scan3A_226 : i32 to index
        %swap3A_278 = arith.constant 96 : index
        %swap3A_279 = tpu.vector_load %arg18[%swap3A_277, %swap3A_278] {strides = array<i32>} : memref<200x112xf32, #tpu.memory_space<vmem>>, vector<16xf32>,
        tpu.vector_store %arg18[%swap3A_277, %swap3A_278], %gather3A_276 {strides = array<i32>} : memref<200x112xf32, #tpu.memory_space<vmem>>, vector<16xf32>,
        %scan3A_280 = arith.constant 2 : i32
        %scan3A_281 = arith.addi %scan3A_177, %scan3A_280 : i32
        %broadcast_in_dim3A_282 = vector.broadcast %scan3A_281 : i32 to vector<16xi32>
        %gather3A_283 = tpu.vector_load_idx %arg11[%broadcast_in_dim3A_282] : memref<200xi32, #tpu.memory_space<vmem>>[vector<16xi32>], vector<16xi32>,
        %get3A_284 = arith.index_cast %scan3A_281 : i32 to index
        %get3A_285 = arith.constant 0 : index
        %get3A_286 = tpu.vector_load %arg16[%get3A_284, %get3A_285] {strides = array<i32>} : memref<200x128xf32, #tpu.memory_space<vmem>>, vector<16xf32>,
        %swap3A_287 = arith.index_cast %scan3A_281 : i32 to index
        %swap3A_288 = arith.constant 0 : index
        %swap3A_289 = tpu.vector_load %arg18[%swap3A_287, %swap3A_288] {strides = array<i32>} : memref<200x112xf32, #tpu.memory_space<vmem>>, vector<16xf32>,
        tpu.vector_store %arg18[%swap3A_287, %swap3A_288], %get3A_286 {strides = array<i32>} : memref<200x112xf32, #tpu.memory_space<vmem>>, vector<16xf32>,
        %get3A_290 = arith.index_cast %scan3A_281 : i32 to index
        %get3A_291 = arith.constant 16 : index
        %get3A_292 = tpu.vector_load %arg16[%get3A_290, %get3A_291] {strides = array<i32>} : memref<200x128xf32, #tpu.memory_space<vmem>>, vector<16xf32>,
        %swap3A_293 = arith.index_cast %scan3A_281 : i32 to index
        %swap3A_294 = arith.constant 16 : index
        %swap3A_295 = tpu.vector_load %arg18[%swap3A_293, %swap3A_294] {strides = array<i32>} : memref<200x112xf32, #tpu.memory_space<vmem>>, vector<16xf32>,
        tpu.vector_store %arg18[%swap3A_293, %swap3A_294], %get3A_292 {strides = array<i32>} : memref<200x112xf32, #tpu.memory_space<vmem>>, vector<16xf32>,
        %get3A_296 = arith.index_cast %scan3A_281 : i32 to index
        %get3A_297 = arith.constant 32 : index
        %get3A_298 = tpu.vector_load %arg16[%get3A_296, %get3A_297] {strides = array<i32>} : memref<200x128xf32, #tpu.memory_space<vmem>>, vector<16xf32>,
        %swap3A_299 = arith.index_cast %scan3A_281 : i32 to index
        %swap3A_300 = arith.constant 32 : index
        %swap3A_301 = tpu.vector_load %arg18[%swap3A_299, %swap3A_300] {strides = array<i32>} : memref<200x112xf32, #tpu.memory_space<vmem>>, vector<16xf32>,
        tpu.vector_store %arg18[%swap3A_299, %swap3A_300], %get3A_298 {strides = array<i32>} : memref<200x112xf32, #tpu.memory_space<vmem>>, vector<16xf32>,
        %get3A_302 = arith.index_cast %scan3A_281 : i32 to index
        %get3A_303 = arith.constant 48 : index
        %get3A_304 = tpu.vector_load %arg16[%get3A_302, %get3A_303] {strides = array<i32>} : memref<200x128xf32, #tpu.memory_space<vmem>>, vector<16xf32>,
        %swap3A_305 = arith.index_cast %scan3A_281 : i32 to index
        %swap3A_306 = arith.constant 48 : index
        %swap3A_307 = tpu.vector_load %arg18[%swap3A_305, %swap3A_306] {strides = array<i32>} : memref<200x112xf32, #tpu.memory_space<vmem>>, vector<16xf32>,
        tpu.vector_store %arg18[%swap3A_305, %swap3A_306], %get3A_304 {strides = array<i32>} : memref<200x112xf32, #tpu.memory_space<vmem>>, vector<16xf32>,
        %shift_right_logical3A_308 = arith.constant 18 : i32
        %shift_right_logical3A_309 = vector.broadcast %shift_right_logical3A_308 : i32 to vector<16xi32>
        %shift_right_logical3A_310 = arith.shrui %gather3A_283, %shift_right_logical3A_309 : vector<16xi32>
        %add3A_311 = arith.addi %shift_right_logical3A_310, %iota3A : vector<16xi32>
        %gather3A_312 = tpu.vector_load_idx %arg13[%add3A_311] : memref<112xf32, #tpu.memory_space<vmem>>[vector<16xi32>], vector<16xf32>,
        %swap3A_313 = arith.index_cast %scan3A_281 : i32 to index
        %swap3A_314 = arith.constant 64 : index
        %swap3A_315 = tpu.vector_load %arg18[%swap3A_313, %swap3A_314] {strides = array<i32>} : memref<200x112xf32, #tpu.memory_space<vmem>>, vector<16xf32>,
        tpu.vector_store %arg18[%swap3A_313, %swap3A_314], %gather3A_312 {strides = array<i32>} : memref<200x112xf32, #tpu.memory_space<vmem>>, vector<16xf32>,
        %shift_right_logical3A_316 = arith.constant 9 : i32
        %shift_right_logical3A_317 = vector.broadcast %shift_right_logical3A_316 : i32 to vector<16xi32>
        %shift_right_logical3A_318 = arith.shrui %gather3A_283, %shift_right_logical3A_317 : vector<16xi32>
        %and3A_319 = arith.constant 511 : i32
        %and3A_320 = vector.broadcast %and3A_319 : i32 to vector<16xi32>
        %and3A_321 = arith.andi %shift_right_logical3A_318, %and3A_320 : vector<16xi32>
        %add3A_322 = arith.addi %and3A_321, %iota3A : vector<16xi32>
        %gather3A_323 = tpu.vector_load_idx %arg14[%add3A_322] : memref<384xf32, #tpu.memory_space<vmem>>[vector<16xi32>], vector<16xf32>,
        %swap3A_324 = arith.index_cast %scan3A_281 : i32 to index
        %swap3A_325 = arith.constant 80 : index
        %swap3A_326 = tpu.vector_load %arg18[%swap3A_324, %swap3A_325] {strides = array<i32>} : memref<200x112xf32, #tpu.memory_space<vmem>>, vector<16xf32>,
        tpu.vector_store %arg18[%swap3A_324, %swap3A_325], %gather3A_323 {strides = array<i32>} : memref<200x112xf32, #tpu.memory_space<vmem>>, vector<16xf32>,
        %and3A_327 = arith.constant 511 : i32
        %and3A_328 = vector.broadcast %and3A_327 : i32 to vector<16xi32>
        %and3A_329 = arith.andi %gather3A_283, %and3A_328 : vector<16xi32>
        %add3A_330 = arith.addi %and3A_329, %iota3A : vector<16xi32>
        %gather3A_331 = tpu.vector_load_idx %arg15[%add3A_330] : memref<384xf32, #tpu.memory_space<vmem>>[vector<16xi32>], vector<16xf32>,
        %swap3A_332 = arith.index_cast %scan3A_281 : i32 to index
        %swap3A_333 = arith.constant 96 : index
        %swap3A_334 = tpu.vector_load %arg18[%swap3A_332, %swap3A_333] {strides = array<i32>} : memref<200x112xf32, #tpu.memory_space<vmem>>, vector<16xf32>,
        tpu.vector_store %arg18[%swap3A_332, %swap3A_333], %gather3A_331 {strides = array<i32>} : memref<200x112xf32, #tpu.memory_space<vmem>>, vector<16xf32>,
        %scan3A_335 = arith.constant 3 : i32
        %scan3A_336 = arith.addi %scan3A_177, %scan3A_335 : i32
        %broadcast_in_dim3A_337 = vector.broadcast %scan3A_336 : i32 to vector<16xi32>
        %gather3A_338 = tpu.vector_load_idx %arg11[%broadcast_in_dim3A_337] : memref<200xi32, #tpu.memory_space<vmem>>[vector<16xi32>], vector<16xi32>,
        %get3A_339 = arith.index_cast %scan3A_336 : i32 to index
        %get3A_340 = arith.constant 0 : index
        %get3A_341 = tpu.vector_load %arg16[%get3A_339, %get3A_340] {strides = array<i32>} : memref<200x128xf32, #tpu.memory_space<vmem>>, vector<16xf32>,
        %swap3A_342 = arith.index_cast %scan3A_336 : i32 to index
        %swap3A_343 = arith.constant 0 : index
        %swap3A_344 = tpu.vector_load %arg18[%swap3A_342, %swap3A_343] {strides = array<i32>} : memref<200x112xf32, #tpu.memory_space<vmem>>, vector<16xf32>,
        tpu.vector_store %arg18[%swap3A_342, %swap3A_343], %get3A_341 {strides = array<i32>} : memref<200x112xf32, #tpu.memory_space<vmem>>, vector<16xf32>,
        %get3A_345 = arith.index_cast %scan3A_336 : i32 to index
        %get3A_346 = arith.constant 16 : index
        %get3A_347 = tpu.vector_load %arg16[%get3A_345, %get3A_346] {strides = array<i32>} : memref<200x128xf32, #tpu.memory_space<vmem>>, vector<16xf32>,
        %swap3A_348 = arith.index_cast %scan3A_336 : i32 to index
        %swap3A_349 = arith.constant 16 : index
        %swap3A_350 = tpu.vector_load %arg18[%swap3A_348, %swap3A_349] {strides = array<i32>} : memref<200x112xf32, #tpu.memory_space<vmem>>, vector<16xf32>,
        tpu.vector_store %arg18[%swap3A_348, %swap3A_349], %get3A_347 {strides = array<i32>} : memref<200x112xf32, #tpu.memory_space<vmem>>, vector<16xf32>,
        %get3A_351 = arith.index_cast %scan3A_336 : i32 to index
        %get3A_352 = arith.constant 32 : index
        %get3A_353 = tpu.vector_load %arg16[%get3A_351, %get3A_352] {strides = array<i32>} : memref<200x128xf32, #tpu.memory_space<vmem>>, vector<16xf32>,
        %swap3A_354 = arith.index_cast %scan3A_336 : i32 to index
        %swap3A_355 = arith.constant 32 : index
        %swap3A_356 = tpu.vector_load %arg18[%swap3A_354, %swap3A_355] {strides = array<i32>} : memref<200x112xf32, #tpu.memory_space<vmem>>, vector<16xf32>,
        tpu.vector_store %arg18[%swap3A_354, %swap3A_355], %get3A_353 {strides = array<i32>} : memref<200x112xf32, #tpu.memory_space<vmem>>, vector<16xf32>,
        %get3A_357 = arith.index_cast %scan3A_336 : i32 to index
        %get3A_358 = arith.constant 48 : index
        %get3A_359 = tpu.vector_load %arg16[%get3A_357, %get3A_358] {strides = array<i32>} : memref<200x128xf32, #tpu.memory_space<vmem>>, vector<16xf32>,
        %swap3A_360 = arith.index_cast %scan3A_336 : i32 to index
        %swap3A_361 = arith.constant 48 : index
        %swap3A_362 = tpu.vector_load %arg18[%swap3A_360, %swap3A_361] {strides = array<i32>} : memref<200x112xf32, #tpu.memory_space<vmem>>, vector<16xf32>,
        tpu.vector_store %arg18[%swap3A_360, %swap3A_361], %get3A_359 {strides = array<i32>} : memref<200x112xf32, #tpu.memory_space<vmem>>, vector<16xf32>,
        %shift_right_logical3A_363 = arith.constant 18 : i32
        %shift_right_logical3A_364 = vector.broadcast %shift_right_logical3A_363 : i32 to vector<16xi32>
        %shift_right_logical3A_365 = arith.shrui %gather3A_338, %shift_right_logical3A_364 : vector<16xi32>
        %add3A_366 = arith.addi %shift_right_logical3A_365, %iota3A : vector<16xi32>
        %gather3A_367 = tpu.vector_load_idx %arg13[%add3A_366] : memref<112xf32, #tpu.memory_space<vmem>>[vector<16xi32>], vector<16xf32>,
        %swap3A_368 = arith.index_cast %scan3A_336 : i32 to index
        %swap3A_369 = arith.constant 64 : index
        %swap3A_370 = tpu.vector_load %arg18[%swap3A_368, %swap3A_369] {strides = array<i32>} : memref<200x112xf32, #tpu.memory_space<vmem>>, vector<16xf32>,
        tpu.vector_store %arg18[%swap3A_368, %swap3A_369], %gather3A_367 {strides = array<i32>} : memref<200x112xf32, #tpu.memory_space<vmem>>, vector<16xf32>,
        %shift_right_logical3A_371 = arith.constant 9 : i32
        %shift_right_logical3A_372 = vector.broadcast %shift_right_logical3A_371 : i32 to vector<16xi32>
        %shift_right_logical3A_373 = arith.shrui %gather3A_338, %shift_right_logical3A_372 : vector<16xi32>
        %and3A_374 = arith.constant 511 : i32
        %and3A_375 = vector.broadcast %and3A_374 : i32 to vector<16xi32>
        %and3A_376 = arith.andi %shift_right_logical3A_373, %and3A_375 : vector<16xi32>
        %add3A_377 = arith.addi %and3A_376, %iota3A : vector<16xi32>
        %gather3A_378 = tpu.vector_load_idx %arg14[%add3A_377] : memref<384xf32, #tpu.memory_space<vmem>>[vector<16xi32>], vector<16xf32>,
        %swap3A_379 = arith.index_cast %scan3A_336 : i32 to index
        %swap3A_380 = arith.constant 80 : index
        %swap3A_381 = tpu.vector_load %arg18[%swap3A_379, %swap3A_380] {strides = array<i32>} : memref<200x112xf32, #tpu.memory_space<vmem>>, vector<16xf32>,
        tpu.vector_store %arg18[%swap3A_379, %swap3A_380], %gather3A_378 {strides = array<i32>} : memref<200x112xf32, #tpu.memory_space<vmem>>, vector<16xf32>,
        %and3A_382 = arith.constant 511 : i32
        %and3A_383 = vector.broadcast %and3A_382 : i32 to vector<16xi32>
        %and3A_384 = arith.andi %gather3A_338, %and3A_383 : vector<16xi32>
        %add3A_385 = arith.addi %and3A_384, %iota3A : vector<16xi32>
        %gather3A_386 = tpu.vector_load_idx %arg15[%add3A_385] : memref<384xf32, #tpu.memory_space<vmem>>[vector<16xi32>], vector<16xf32>,
        %swap3A_387 = arith.index_cast %scan3A_336 : i32 to index
        %swap3A_388 = arith.constant 96 : index
        %swap3A_389 = tpu.vector_load %arg18[%swap3A_387, %swap3A_388] {strides = array<i32>} : memref<200x112xf32, #tpu.memory_space<vmem>>, vector<16xf32>,
        tpu.vector_store %arg18[%swap3A_387, %swap3A_388], %gather3A_386 {strides = array<i32>} : memref<200x112xf32, #tpu.memory_space<vmem>>, vector<16xf32>,
      }
      %scan3A_101 = arith.constant 200 : i32
      %dma_start3A_102 = tpu.memref_reshape %arg8 : memref<4096x200x112xf32, #tpu.memory_space<hbm>> -> memref<819200x112xf32, #tpu.memory_space<hbm>>
      %dma_start3A_103 = arith.constant 0 : i32
      %dma_start3A_104 = tpu.memref_slice %dma_start3A_102[%add3A_63, %dma_start3A_103] : memref<819200x112xf32, #tpu.memory_space<hbm>> -> memref<200x112xf32, #tpu.memory_space<hbm>>
      %dma_start3A_105 = tpu.memref_reshape %arg8 : memref<4096x200x112xf32, #tpu.memory_space<hbm>> -> memref<819200x112xf32, #tpu.memory_space<hbm>>
      %dma_start3A_106 = arith.constant 0 : i32
      %dma_start3A_107 = tpu.memref_slice %dma_start3A_105[%add3A_63, %dma_start3A_106] : memref<819200x112xf32, #tpu.memory_space<hbm>> -> memref<200x112xf32, #tpu.memory_space<hbm>>
      tpu.enqueue_dma source(%arg18 : memref<200x112xf32, #tpu.memory_space<vmem>>) target(%dma_start3A_107 : memref<200x112xf32, #tpu.memory_space<hbm>>) target_semaphore(%arg21 : memref<!tpu.dma_semaphore, #tpu.memory_space<semaphore_mem>>)
      %add3A_108 = arith.constant 2 : i32
      %add3A_109 = arith.addi %mul3A_60, %add3A_108 : i32
      %lt3A_110 = arith.constant 128 : i32
      %lt3A_111 = arith.cmpi slt, %add3A_109, %lt3A_110 : i32
      %convert_element_type3A_112 = arith.extui %lt3A_111 : i1 to i32
      %cond3A_113 = arith.constant 0 : i32
      %cond3A_114 = arith.cmpi ne, %convert_element_type3A_112, %cond3A_113 : i32
      scf.if %cond3A_114 {
        %add3A_177 = arith.constant 2 : i32
        %add3A_178 = arith.addi %mul3A_60, %add3A_177 : i32
        %mul3A_179 = arith.constant 200 : i32
        %mul3A_180 = arith.muli %add3A_178, %mul3A_179 : i32
        %add3A_181 = arith.addi %mul3A_2, %mul3A_180 : i32
        %dma_start3A_182 = tpu.memref_slice %arg2[%add3A_181] : memref<819200xi32, #tpu.memory_space<hbm>> -> memref<200xi32, #tpu.memory_space<hbm>>
        %dma_start3A_183 = tpu.memref_slice %arg2[%add3A_181] : memref<819200xi32, #tpu.memory_space<hbm>> -> memref<200xi32, #tpu.memory_space<hbm>>
        tpu.enqueue_dma source(%dma_start3A_183 : memref<200xi32, #tpu.memory_space<hbm>>) target(%arg9 : memref<200xi32, #tpu.memory_space<vmem>>) target_semaphore(%arg22 : memref<!tpu.dma_semaphore, #tpu.memory_space<semaphore_mem>>)
        %dma_start3A_184 = tpu.memref_slice %arg3[%add3A_181] : memref<819200xi32, #tpu.memory_space<hbm>> -> memref<200xi32, #tpu.memory_space<hbm>>
        %dma_start3A_185 = tpu.memref_slice %arg3[%add3A_181] : memref<819200xi32, #tpu.memory_space<hbm>> -> memref<200xi32, #tpu.memory_space<hbm>>
        tpu.enqueue_dma source(%dma_start3A_185 : memref<200xi32, #tpu.memory_space<hbm>>) target(%arg11 : memref<200xi32, #tpu.memory_space<vmem>>) target_semaphore(%arg22 : memref<!tpu.dma_semaphore, #tpu.memory_space<semaphore_mem>>)
      } else {
      }
      %mul3A_115 = arith.constant 2 : i32
      %mul3A_116 = arith.muli %mul3A_115, %scan3A_58 : i32
      %add3A_117 = arith.constant 1 : i32
      %add3A_118 = arith.addi %mul3A_116, %add3A_117 : i32
      %mul3A_119 = arith.constant 200 : i32
      %mul3A_120 = arith.muli %add3A_118, %mul3A_119 : i32
      %add3A_121 = arith.addi %mul3A_2, %mul3A_120 : i32
      %ge3A_122 = arith.constant 2 : i32
      %ge3A_123 = arith.cmpi sge, %add3A_118, %ge3A_122 : i32
      %convert_element_type3A_124 = arith.extui %ge3A_123 : i1 to i32
      %cond3A_125 = arith.constant 0 : i32
      %cond3A_126 = arith.cmpi ne, %convert_element_type3A_124, %cond3A_125 : i32
      scf.if %cond3A_126 {
        %dma_wait3A_177 = tpu.memref_reshape %arg8 : memref<4096x200x112xf32, #tpu.memory_space<hbm>> -> memref<819200x112xf32, #tpu.memory_space<hbm>>
        %dma_wait3A_178 = arith.constant 0 : i32
        %dma_wait3A_179 = arith.constant 0 : i32
        %dma_wait3A_180 = tpu.memref_slice %dma_wait3A_177[%dma_wait3A_178, %dma_wait3A_179] : memref<819200x112xf32, #tpu.memory_space<hbm>> -> memref<200x112xf32, #tpu.memory_space<hbm>>
        %dma_wait3A_181 = tpu.memref_reshape %arg8 : memref<4096x200x112xf32, #tpu.memory_space<hbm>> -> memref<819200x112xf32, #tpu.memory_space<hbm>>
        %dma_wait3A_182 = arith.constant 0 : i32
        %dma_wait3A_183 = arith.constant 0 : i32
        %dma_wait3A_184 = tpu.memref_slice %dma_wait3A_181[%dma_wait3A_182, %dma_wait3A_183] : memref<819200x112xf32, #tpu.memory_space<hbm>> -> memref<200x112xf32, #tpu.memory_space<hbm>>
        tpu.wait_dma2 semaphore(%arg21 : memref<!tpu.dma_semaphore, #tpu.memory_space<semaphore_mem>>) src(%arg19 : memref<200x112xf32, #tpu.memory_space<vmem>>) dst(%dma_wait3A_184 : memref<200x112xf32, #tpu.memory_space<hbm>>)
      } else {
      }
      %dma_wait3A_127 = arith.constant 0 : i32
      %dma_wait3A_128 = arith.constant 0 : i32
      %dma_wait3A_129 = tpu.memref_slice %arg17[%dma_wait3A_127, %dma_wait3A_128] : memref<200x128xf32, #tpu.memory_space<vmem>> -> memref<128x128xf32, #tpu.memory_space<vmem>>
      %dma_wait3A_130 = arith.constant 0 : i32
      %dma_wait3A_131 = arith.constant 0 : i32
      %dma_wait3A_132 = tpu.memref_slice %arg4[%dma_wait3A_130, %dma_wait3A_131] : memref<1000000x128xf32, #tpu.memory_space<hbm>> -> memref<128x128xf32, #tpu.memory_space<hbm>>
      %dma_wait3A_133 = arith.constant 0 : i32
      %dma_wait3A_134 = arith.constant 0 : i32
      %dma_wait3A_135 = tpu.memref_slice %arg17[%dma_wait3A_133, %dma_wait3A_134] : memref<200x128xf32, #tpu.memory_space<vmem>> -> memref<128x128xf32, #tpu.memory_space<vmem>>
      %dma_wait3A_136 = arith.constant 0 : i32
      %dma_wait3A_137 = arith.constant 0 : i32
      %dma_wait3A_138 = tpu.memref_slice %arg4[%dma_wait3A_136, %dma_wait3A_137] : memref<1000000x128xf32, #tpu.memory_space<hbm>> -> memref<128x128xf32, #tpu.memory_space<hbm>>
      tpu.wait_dma2 semaphore(%arg20 : memref<!tpu.dma_semaphore, #tpu.memory_space<semaphore_mem>>) src(%dma_wait3A_138 : memref<128x128xf32, #tpu.memory_space<hbm>>) dst(%dma_wait3A_135 : memref<128x128xf32, #tpu.memory_space<vmem>>)
      %dma_wait3A_139 = arith.constant 128 : i32
      %dma_wait3A_140 = arith.constant 0 : i32
      %dma_wait3A_141 = tpu.memref_slice %arg17[%dma_wait3A_139, %dma_wait3A_140] : memref<200x128xf32, #tpu.memory_space<vmem>> -> memref<72x128xf32, #tpu.memory_space<vmem>>
      %dma_wait3A_142 = arith.constant 0 : i32
      %dma_wait3A_143 = arith.constant 0 : i32
      %dma_wait3A_144 = tpu.memref_slice %arg4[%dma_wait3A_142, %dma_wait3A_143] : memref<1000000x128xf32, #tpu.memory_space<hbm>> -> memref<72x128xf32, #tpu.memory_space<hbm>>
      %dma_wait3A_145 = arith.constant 128 : i32
      %dma_wait3A_146 = arith.constant 0 : i32
      %dma_wait3A_147 = tpu.memref_slice %arg17[%dma_wait3A_145, %dma_wait3A_146] : memref<200x128xf32, #tpu.memory_space<vmem>> -> memref<72x128xf32, #tpu.memory_space<vmem>>
      %dma_wait3A_148 = arith.constant 0 : i32
      %dma_wait3A_149 = arith.constant 0 : i32
      %dma_wait3A_150 = tpu.memref_slice %arg4[%dma_wait3A_148, %dma_wait3A_149] : memref<1000000x128xf32, #tpu.memory_space<hbm>> -> memref<72x128xf32, #tpu.memory_space<hbm>>
      tpu.wait_dma2 semaphore(%arg20 : memref<!tpu.dma_semaphore, #tpu.memory_space<semaphore_mem>>) src(%dma_wait3A_150 : memref<72x128xf32, #tpu.memory_space<hbm>>) dst(%dma_wait3A_147 : memref<72x128xf32, #tpu.memory_space<vmem>>)
      %add3A_151 = arith.constant 1 : i32
      %add3A_152 = arith.addi %add3A_118, %add3A_151 : i32
      %lt3A_153 = arith.constant 128 : i32
      %lt3A_154 = arith.cmpi slt, %add3A_152, %lt3A_153 : i32
      %convert_element_type3A_155 = arith.extui %lt3A_154 : i1 to i32
      %cond3A_156 = arith.constant 0 : i32
      %cond3A_157 = arith.cmpi ne, %convert_element_type3A_155, %cond3A_156 : i32
      scf.if %cond3A_157 {
        %dma_wait3A_177 = arith.constant 0 : i32
        %dma_wait3A_178 = tpu.memref_slice %arg2[%dma_wait3A_177] : memref<819200xi32, #tpu.memory_space<hbm>> -> memref<200xi32, #tpu.memory_space<hbm>>
        %dma_wait3A_179 = arith.constant 0 : i32
        %dma_wait3A_180 = tpu.memref_slice %arg2[%dma_wait3A_179] : memref<819200xi32, #tpu.memory_space<hbm>> -> memref<200xi32, #tpu.memory_space<hbm>>
        tpu.wait_dma2 semaphore(%arg22 : memref<!tpu.dma_semaphore, #tpu.memory_space<semaphore_mem>>) src(%dma_wait3A_180 : memref<200xi32, #tpu.memory_space<hbm>>) dst(%arg9 : memref<200xi32, #tpu.memory_space<vmem>>)
        %dma_wait3A_181 = arith.constant 0 : i32
        %dma_wait3A_182 = tpu.memref_slice %arg3[%dma_wait3A_181] : memref<819200xi32, #tpu.memory_space<hbm>> -> memref<200xi32, #tpu.memory_space<hbm>>
        %dma_wait3A_183 = arith.constant 0 : i32
        %dma_wait3A_184 = tpu.memref_slice %arg3[%dma_wait3A_183] : memref<819200xi32, #tpu.memory_space<hbm>> -> memref<200xi32, #tpu.memory_space<hbm>>
        tpu.wait_dma2 semaphore(%arg22 : memref<!tpu.dma_semaphore, #tpu.memory_space<semaphore_mem>>) src(%dma_wait3A_184 : memref<200xi32, #tpu.memory_space<hbm>>) dst(%arg11 : memref<200xi32, #tpu.memory_space<vmem>>)
        %dma_start3A_185 = arith.constant 0 : i32
        %dma_start3A_186 = arith.constant 0 : i32
        %dma_start3A_187 = tpu.memref_slice %arg16[%dma_start3A_185, %dma_start3A_186] : memref<200x128xf32, #tpu.memory_space<vmem>> -> memref<128x128xf32, #tpu.memory_space<vmem>>
        %dma_start3A_188 = arith.constant 0 : i32
        %dma_start3A_189 = tpu.memref_slice %arg9[%dma_start3A_188] : memref<200xi32, #tpu.memory_space<vmem>> -> memref<128xi32, #tpu.memory_space<vmem>>
        %dma_start3A_190 = arith.constant 0 : i32
        %dma_start3A_191 = arith.constant 0 : i32
        %dma_start3A_192 = tpu.memref_slice %arg4[%dma_start3A_190, %dma_start3A_191] : memref<1000000x128xf32, #tpu.memory_space<hbm>> -> memref<1000000x128xf32, #tpu.memory_space<hbm>>
        tpu.enqueue_indirect_dma source(%dma_start3A_192 : memref<1000000x128xf32, #tpu.memory_space<hbm>>) target(%dma_start3A_187 : memref<128x128xf32, #tpu.memory_space<vmem>>) offsets(%dma_start3A_189 : memref<128xi32, #tpu.memory_space<vmem>>) semaphore(%arg20 : memref<!tpu.dma_semaphore, #tpu.memory_space<semaphore_mem>>)
        %dma_start3A_193 = arith.constant 128 : i32
        %dma_start3A_194 = arith.constant 0 : i32
        %dma_start3A_195 = tpu.memref_slice %arg16[%dma_start3A_193, %dma_start3A_194] : memref<200x128xf32, #tpu.memory_space<vmem>> -> memref<72x128xf32, #tpu.memory_space<vmem>>
        %dma_start3A_196 = arith.constant 128 : i32
        %dma_start3A_197 = tpu.memref_slice %arg9[%dma_start3A_196] : memref<200xi32, #tpu.memory_space<vmem>> -> memref<72xi32, #tpu.memory_space<vmem>>
        %dma_start3A_198 = arith.constant 0 : i32
        %dma_start3A_199 = arith.constant 0 : i32
        %dma_start3A_200 = tpu.memref_slice %arg4[%dma_start3A_198, %dma_start3A_199] : memref<1000000x128xf32, #tpu.memory_space<hbm>> -> memref<1000000x128xf32, #tpu.memory_space<hbm>>
        tpu.enqueue_indirect_dma source(%dma_start3A_200 : memref<1000000x128xf32, #tpu.memory_space<hbm>>) target(%dma_start3A_195 : memref<72x128xf32, #tpu.memory_space<vmem>>) offsets(%dma_start3A_197 : memref<72xi32, #tpu.memory_space<vmem>>) semaphore(%arg20 : memref<!tpu.dma_semaphore, #tpu.memory_space<semaphore_mem>>)
      } else {
      }
      %scan3A_158 = arith.constant 0 : i32
      %scan3A_159 = arith.constant 0 : i32
      %scan3A_160 = arith.constant 200 : i32
      %scan3A_161 = arith.addi %scan3A_159, %scan3A_160 : i32
      %scan3A_162 = arith.constant 4 : i32
      scf.for %scan3A_177 = %scan3A_159 to %scan3A_161 step %scan3A_162  : i32 {
        %broadcast_in_dim3A = vector.broadcast %scan3A_177 : i32 to vector<16xi32>
        %gather3A = tpu.vector_load_idx %arg12[%broadcast_in_dim3A] : memref<200xi32, #tpu.memory_space<vmem>>[vector<16xi32>], vector<16xi32>,
        %get3A = arith.index_cast %scan3A_177 : i32 to index
        %get3A_178 = arith.constant 0 : index
        %get3A_179 = tpu.vector_load %arg17[%get3A, %get3A_178] {strides = array<i32>} : memref<200x128xf32, #tpu.memory_space<vmem>>, vector<16xf32>,
        %swap3A = arith.index_cast %scan3A_177 : i32 to index
        %swap3A_180 = arith.constant 0 : index
        %swap3A_181 = tpu.vector_load %arg19[%swap3A, %swap3A_180] {strides = array<i32>} : memref<200x112xf32, #tpu.memory_space<vmem>>, vector<16xf32>,
        tpu.vector_store %arg19[%swap3A, %swap3A_180], %get3A_179 {strides = array<i32>} : memref<200x112xf32, #tpu.memory_space<vmem>>, vector<16xf32>,
        %get3A_182 = arith.index_cast %scan3A_177 : i32 to index
        %get3A_183 = arith.constant 16 : index
        %get3A_184 = tpu.vector_load %arg17[%get3A_182, %get3A_183] {strides = array<i32>} : memref<200x128xf32, #tpu.memory_space<vmem>>, vector<16xf32>,
        %swap3A_185 = arith.index_cast %scan3A_177 : i32 to index
        %swap3A_186 = arith.constant 16 : index
        %swap3A_187 = tpu.vector_load %arg19[%swap3A_185, %swap3A_186] {strides = array<i32>} : memref<200x112xf32, #tpu.memory_space<vmem>>, vector<16xf32>,
        tpu.vector_store %arg19[%swap3A_185, %swap3A_186], %get3A_184 {strides = array<i32>} : memref<200x112xf32, #tpu.memory_space<vmem>>, vector<16xf32>,
        %get3A_188 = arith.index_cast %scan3A_177 : i32 to index
        %get3A_189 = arith.constant 32 : index
        %get3A_190 = tpu.vector_load %arg17[%get3A_188, %get3A_189] {strides = array<i32>} : memref<200x128xf32, #tpu.memory_space<vmem>>, vector<16xf32>,
        %swap3A_191 = arith.index_cast %scan3A_177 : i32 to index
        %swap3A_192 = arith.constant 32 : index
        %swap3A_193 = tpu.vector_load %arg19[%swap3A_191, %swap3A_192] {strides = array<i32>} : memref<200x112xf32, #tpu.memory_space<vmem>>, vector<16xf32>,
        tpu.vector_store %arg19[%swap3A_191, %swap3A_192], %get3A_190 {strides = array<i32>} : memref<200x112xf32, #tpu.memory_space<vmem>>, vector<16xf32>,
        %get3A_194 = arith.index_cast %scan3A_177 : i32 to index
        %get3A_195 = arith.constant 48 : index
        %get3A_196 = tpu.vector_load %arg17[%get3A_194, %get3A_195] {strides = array<i32>} : memref<200x128xf32, #tpu.memory_space<vmem>>, vector<16xf32>,
        %swap3A_197 = arith.index_cast %scan3A_177 : i32 to index
        %swap3A_198 = arith.constant 48 : index
        %swap3A_199 = tpu.vector_load %arg19[%swap3A_197, %swap3A_198] {strides = array<i32>} : memref<200x112xf32, #tpu.memory_space<vmem>>, vector<16xf32>,
        tpu.vector_store %arg19[%swap3A_197, %swap3A_198], %get3A_196 {strides = array<i32>} : memref<200x112xf32, #tpu.memory_space<vmem>>, vector<16xf32>,
        %shift_right_logical3A = arith.constant 18 : i32
        %shift_right_logical3A_200 = vector.broadcast %shift_right_logical3A : i32 to vector<16xi32>
        %shift_right_logical3A_201 = arith.shrui %gather3A, %shift_right_logical3A_200 : vector<16xi32>
        %add3A_202 = arith.addi %shift_right_logical3A_201, %iota3A : vector<16xi32>
        %gather3A_203 = tpu.vector_load_idx %arg13[%add3A_202] : memref<112xf32, #tpu.memory_space<vmem>>[vector<16xi32>], vector<16xf32>,
        %swap3A_204 = arith.index_cast %scan3A_177 : i32 to index
        %swap3A_205 = arith.constant 64 : index
        %swap3A_206 = tpu.vector_load %arg19[%swap3A_204, %swap3A_205] {strides = array<i32>} : memref<200x112xf32, #tpu.memory_space<vmem>>, vector<16xf32>,
        tpu.vector_store %arg19[%swap3A_204, %swap3A_205], %gather3A_203 {strides = array<i32>} : memref<200x112xf32, #tpu.memory_space<vmem>>, vector<16xf32>,
        %shift_right_logical3A_207 = arith.constant 9 : i32
        %shift_right_logical3A_208 = vector.broadcast %shift_right_logical3A_207 : i32 to vector<16xi32>
        %shift_right_logical3A_209 = arith.shrui %gather3A, %shift_right_logical3A_208 : vector<16xi32>
        %and3A = arith.constant 511 : i32
        %and3A_210 = vector.broadcast %and3A : i32 to vector<16xi32>
        %and3A_211 = arith.andi %shift_right_logical3A_209, %and3A_210 : vector<16xi32>
        %add3A_212 = arith.addi %and3A_211, %iota3A : vector<16xi32>
        %gather3A_213 = tpu.vector_load_idx %arg14[%add3A_212] : memref<384xf32, #tpu.memory_space<vmem>>[vector<16xi32>], vector<16xf32>,
        %swap3A_214 = arith.index_cast %scan3A_177 : i32 to index
        %swap3A_215 = arith.constant 80 : index
        %swap3A_216 = tpu.vector_load %arg19[%swap3A_214, %swap3A_215] {strides = array<i32>} : memref<200x112xf32, #tpu.memory_space<vmem>>, vector<16xf32>,
        tpu.vector_store %arg19[%swap3A_214, %swap3A_215], %gather3A_213 {strides = array<i32>} : memref<200x112xf32, #tpu.memory_space<vmem>>, vector<16xf32>,
        %and3A_217 = arith.constant 511 : i32
        %and3A_218 = vector.broadcast %and3A_217 : i32 to vector<16xi32>
        %and3A_219 = arith.andi %gather3A, %and3A_218 : vector<16xi32>
        %add3A_220 = arith.addi %and3A_219, %iota3A : vector<16xi32>
        %gather3A_221 = tpu.vector_load_idx %arg15[%add3A_220] : memref<384xf32, #tpu.memory_space<vmem>>[vector<16xi32>], vector<16xf32>,
        %swap3A_222 = arith.index_cast %scan3A_177 : i32 to index
        %swap3A_223 = arith.constant 96 : index
        %swap3A_224 = tpu.vector_load %arg19[%swap3A_222, %swap3A_223] {strides = array<i32>} : memref<200x112xf32, #tpu.memory_space<vmem>>, vector<16xf32>,
        tpu.vector_store %arg19[%swap3A_222, %swap3A_223], %gather3A_221 {strides = array<i32>} : memref<200x112xf32, #tpu.memory_space<vmem>>, vector<16xf32>,
        %scan3A_225 = arith.constant 1 : i32
        %scan3A_226 = arith.addi %scan3A_177, %scan3A_225 : i32
        %broadcast_in_dim3A_227 = vector.broadcast %scan3A_226 : i32 to vector<16xi32>
        %gather3A_228 = tpu.vector_load_idx %arg12[%broadcast_in_dim3A_227] : memref<200xi32, #tpu.memory_space<vmem>>[vector<16xi32>], vector<16xi32>,
        %get3A_229 = arith.index_cast %scan3A_226 : i32 to index
        %get3A_230 = arith.constant 0 : index
        %get3A_231 = tpu.vector_load %arg17[%get3A_229, %get3A_230] {strides = array<i32>} : memref<200x128xf32, #tpu.memory_space<vmem>>, vector<16xf32>,
        %swap3A_232 = arith.index_cast %scan3A_226 : i32 to index
        %swap3A_233 = arith.constant 0 : index
        %swap3A_234 = tpu.vector_load %arg19[%swap3A_232, %swap3A_233] {strides = array<i32>} : memref<200x112xf32, #tpu.memory_space<vmem>>, vector<16xf32>,
        tpu.vector_store %arg19[%swap3A_232, %swap3A_233], %get3A_231 {strides = array<i32>} : memref<200x112xf32, #tpu.memory_space<vmem>>, vector<16xf32>,
        %get3A_235 = arith.index_cast %scan3A_226 : i32 to index
        %get3A_236 = arith.constant 16 : index
        %get3A_237 = tpu.vector_load %arg17[%get3A_235, %get3A_236] {strides = array<i32>} : memref<200x128xf32, #tpu.memory_space<vmem>>, vector<16xf32>,
        %swap3A_238 = arith.index_cast %scan3A_226 : i32 to index
        %swap3A_239 = arith.constant 16 : index
        %swap3A_240 = tpu.vector_load %arg19[%swap3A_238, %swap3A_239] {strides = array<i32>} : memref<200x112xf32, #tpu.memory_space<vmem>>, vector<16xf32>,
        tpu.vector_store %arg19[%swap3A_238, %swap3A_239], %get3A_237 {strides = array<i32>} : memref<200x112xf32, #tpu.memory_space<vmem>>, vector<16xf32>,
        %get3A_241 = arith.index_cast %scan3A_226 : i32 to index
        %get3A_242 = arith.constant 32 : index
        %get3A_243 = tpu.vector_load %arg17[%get3A_241, %get3A_242] {strides = array<i32>} : memref<200x128xf32, #tpu.memory_space<vmem>>, vector<16xf32>,
        %swap3A_244 = arith.index_cast %scan3A_226 : i32 to index
        %swap3A_245 = arith.constant 32 : index
        %swap3A_246 = tpu.vector_load %arg19[%swap3A_244, %swap3A_245] {strides = array<i32>} : memref<200x112xf32, #tpu.memory_space<vmem>>, vector<16xf32>,
        tpu.vector_store %arg19[%swap3A_244, %swap3A_245], %get3A_243 {strides = array<i32>} : memref<200x112xf32, #tpu.memory_space<vmem>>, vector<16xf32>,
        %get3A_247 = arith.index_cast %scan3A_226 : i32 to index
        %get3A_248 = arith.constant 48 : index
        %get3A_249 = tpu.vector_load %arg17[%get3A_247, %get3A_248] {strides = array<i32>} : memref<200x128xf32, #tpu.memory_space<vmem>>, vector<16xf32>,
        %swap3A_250 = arith.index_cast %scan3A_226 : i32 to index
        %swap3A_251 = arith.constant 48 : index
        %swap3A_252 = tpu.vector_load %arg19[%swap3A_250, %swap3A_251] {strides = array<i32>} : memref<200x112xf32, #tpu.memory_space<vmem>>, vector<16xf32>,
        tpu.vector_store %arg19[%swap3A_250, %swap3A_251], %get3A_249 {strides = array<i32>} : memref<200x112xf32, #tpu.memory_space<vmem>>, vector<16xf32>,
        %shift_right_logical3A_253 = arith.constant 18 : i32
        %shift_right_logical3A_254 = vector.broadcast %shift_right_logical3A_253 : i32 to vector<16xi32>
        %shift_right_logical3A_255 = arith.shrui %gather3A_228, %shift_right_logical3A_254 : vector<16xi32>
        %add3A_256 = arith.addi %shift_right_logical3A_255, %iota3A : vector<16xi32>
        %gather3A_257 = tpu.vector_load_idx %arg13[%add3A_256] : memref<112xf32, #tpu.memory_space<vmem>>[vector<16xi32>], vector<16xf32>,
        %swap3A_258 = arith.index_cast %scan3A_226 : i32 to index
        %swap3A_259 = arith.constant 64 : index
        %swap3A_260 = tpu.vector_load %arg19[%swap3A_258, %swap3A_259] {strides = array<i32>} : memref<200x112xf32, #tpu.memory_space<vmem>>, vector<16xf32>,
        tpu.vector_store %arg19[%swap3A_258, %swap3A_259], %gather3A_257 {strides = array<i32>} : memref<200x112xf32, #tpu.memory_space<vmem>>, vector<16xf32>,
        %shift_right_logical3A_261 = arith.constant 9 : i32
        %shift_right_logical3A_262 = vector.broadcast %shift_right_logical3A_261 : i32 to vector<16xi32>
        %shift_right_logical3A_263 = arith.shrui %gather3A_228, %shift_right_logical3A_262 : vector<16xi32>
        %and3A_264 = arith.constant 511 : i32
        %and3A_265 = vector.broadcast %and3A_264 : i32 to vector<16xi32>
        %and3A_266 = arith.andi %shift_right_logical3A_263, %and3A_265 : vector<16xi32>
        %add3A_267 = arith.addi %and3A_266, %iota3A : vector<16xi32>
        %gather3A_268 = tpu.vector_load_idx %arg14[%add3A_267] : memref<384xf32, #tpu.memory_space<vmem>>[vector<16xi32>], vector<16xf32>,
        %swap3A_269 = arith.index_cast %scan3A_226 : i32 to index
        %swap3A_270 = arith.constant 80 : index
        %swap3A_271 = tpu.vector_load %arg19[%swap3A_269, %swap3A_270] {strides = array<i32>} : memref<200x112xf32, #tpu.memory_space<vmem>>, vector<16xf32>,
        tpu.vector_store %arg19[%swap3A_269, %swap3A_270], %gather3A_268 {strides = array<i32>} : memref<200x112xf32, #tpu.memory_space<vmem>>, vector<16xf32>,
        %and3A_272 = arith.constant 511 : i32
        %and3A_273 = vector.broadcast %and3A_272 : i32 to vector<16xi32>
        %and3A_274 = arith.andi %gather3A_228, %and3A_273 : vector<16xi32>
        %add3A_275 = arith.addi %and3A_274, %iota3A : vector<16xi32>
        %gather3A_276 = tpu.vector_load_idx %arg15[%add3A_275] : memref<384xf32, #tpu.memory_space<vmem>>[vector<16xi32>], vector<16xf32>,
        %swap3A_277 = arith.index_cast %scan3A_226 : i32 to index
        %swap3A_278 = arith.constant 96 : index
        %swap3A_279 = tpu.vector_load %arg19[%swap3A_277, %swap3A_278] {strides = array<i32>} : memref<200x112xf32, #tpu.memory_space<vmem>>, vector<16xf32>,
        tpu.vector_store %arg19[%swap3A_277, %swap3A_278], %gather3A_276 {strides = array<i32>} : memref<200x112xf32, #tpu.memory_space<vmem>>, vector<16xf32>,
        %scan3A_280 = arith.constant 2 : i32
        %scan3A_281 = arith.addi %scan3A_177, %scan3A_280 : i32
        %broadcast_in_dim3A_282 = vector.broadcast %scan3A_281 : i32 to vector<16xi32>
        %gather3A_283 = tpu.vector_load_idx %arg12[%broadcast_in_dim3A_282] : memref<200xi32, #tpu.memory_space<vmem>>[vector<16xi32>], vector<16xi32>,
        %get3A_284 = arith.index_cast %scan3A_281 : i32 to index
        %get3A_285 = arith.constant 0 : index
        %get3A_286 = tpu.vector_load %arg17[%get3A_284, %get3A_285] {strides = array<i32>} : memref<200x128xf32, #tpu.memory_space<vmem>>, vector<16xf32>,
        %swap3A_287 = arith.index_cast %scan3A_281 : i32 to index
        %swap3A_288 = arith.constant 0 : index
        %swap3A_289 = tpu.vector_load %arg19[%swap3A_287, %swap3A_288] {strides = array<i32>} : memref<200x112xf32, #tpu.memory_space<vmem>>, vector<16xf32>,
        tpu.vector_store %arg19[%swap3A_287, %swap3A_288], %get3A_286 {strides = array<i32>} : memref<200x112xf32, #tpu.memory_space<vmem>>, vector<16xf32>,
        %get3A_290 = arith.index_cast %scan3A_281 : i32 to index
        %get3A_291 = arith.constant 16 : index
        %get3A_292 = tpu.vector_load %arg17[%get3A_290, %get3A_291] {strides = array<i32>} : memref<200x128xf32, #tpu.memory_space<vmem>>, vector<16xf32>,
        %swap3A_293 = arith.index_cast %scan3A_281 : i32 to index
        %swap3A_294 = arith.constant 16 : index
        %swap3A_295 = tpu.vector_load %arg19[%swap3A_293, %swap3A_294] {strides = array<i32>} : memref<200x112xf32, #tpu.memory_space<vmem>>, vector<16xf32>,
        tpu.vector_store %arg19[%swap3A_293, %swap3A_294], %get3A_292 {strides = array<i32>} : memref<200x112xf32, #tpu.memory_space<vmem>>, vector<16xf32>,
        %get3A_296 = arith.index_cast %scan3A_281 : i32 to index
        %get3A_297 = arith.constant 32 : index
        %get3A_298 = tpu.vector_load %arg17[%get3A_296, %get3A_297] {strides = array<i32>} : memref<200x128xf32, #tpu.memory_space<vmem>>, vector<16xf32>,
        %swap3A_299 = arith.index_cast %scan3A_281 : i32 to index
        %swap3A_300 = arith.constant 32 : index
        %swap3A_301 = tpu.vector_load %arg19[%swap3A_299, %swap3A_300] {strides = array<i32>} : memref<200x112xf32, #tpu.memory_space<vmem>>, vector<16xf32>,
        tpu.vector_store %arg19[%swap3A_299, %swap3A_300], %get3A_298 {strides = array<i32>} : memref<200x112xf32, #tpu.memory_space<vmem>>, vector<16xf32>,
        %get3A_302 = arith.index_cast %scan3A_281 : i32 to index
        %get3A_303 = arith.constant 48 : index
        %get3A_304 = tpu.vector_load %arg17[%get3A_302, %get3A_303] {strides = array<i32>} : memref<200x128xf32, #tpu.memory_space<vmem>>, vector<16xf32>,
        %swap3A_305 = arith.index_cast %scan3A_281 : i32 to index
        %swap3A_306 = arith.constant 48 : index
        %swap3A_307 = tpu.vector_load %arg19[%swap3A_305, %swap3A_306] {strides = array<i32>} : memref<200x112xf32, #tpu.memory_space<vmem>>, vector<16xf32>,
        tpu.vector_store %arg19[%swap3A_305, %swap3A_306], %get3A_304 {strides = array<i32>} : memref<200x112xf32, #tpu.memory_space<vmem>>, vector<16xf32>,
        %shift_right_logical3A_308 = arith.constant 18 : i32
        %shift_right_logical3A_309 = vector.broadcast %shift_right_logical3A_308 : i32 to vector<16xi32>
        %shift_right_logical3A_310 = arith.shrui %gather3A_283, %shift_right_logical3A_309 : vector<16xi32>
        %add3A_311 = arith.addi %shift_right_logical3A_310, %iota3A : vector<16xi32>
        %gather3A_312 = tpu.vector_load_idx %arg13[%add3A_311] : memref<112xf32, #tpu.memory_space<vmem>>[vector<16xi32>], vector<16xf32>,
        %swap3A_313 = arith.index_cast %scan3A_281 : i32 to index
        %swap3A_314 = arith.constant 64 : index
        %swap3A_315 = tpu.vector_load %arg19[%swap3A_313, %swap3A_314] {strides = array<i32>} : memref<200x112xf32, #tpu.memory_space<vmem>>, vector<16xf32>,
        tpu.vector_store %arg19[%swap3A_313, %swap3A_314], %gather3A_312 {strides = array<i32>} : memref<200x112xf32, #tpu.memory_space<vmem>>, vector<16xf32>,
        %shift_right_logical3A_316 = arith.constant 9 : i32
        %shift_right_logical3A_317 = vector.broadcast %shift_right_logical3A_316 : i32 to vector<16xi32>
        %shift_right_logical3A_318 = arith.shrui %gather3A_283, %shift_right_logical3A_317 : vector<16xi32>
        %and3A_319 = arith.constant 511 : i32
        %and3A_320 = vector.broadcast %and3A_319 : i32 to vector<16xi32>
        %and3A_321 = arith.andi %shift_right_logical3A_318, %and3A_320 : vector<16xi32>
        %add3A_322 = arith.addi %and3A_321, %iota3A : vector<16xi32>
        %gather3A_323 = tpu.vector_load_idx %arg14[%add3A_322] : memref<384xf32, #tpu.memory_space<vmem>>[vector<16xi32>], vector<16xf32>,
        %swap3A_324 = arith.index_cast %scan3A_281 : i32 to index
        %swap3A_325 = arith.constant 80 : index
        %swap3A_326 = tpu.vector_load %arg19[%swap3A_324, %swap3A_325] {strides = array<i32>} : memref<200x112xf32, #tpu.memory_space<vmem>>, vector<16xf32>,
        tpu.vector_store %arg19[%swap3A_324, %swap3A_325], %gather3A_323 {strides = array<i32>} : memref<200x112xf32, #tpu.memory_space<vmem>>, vector<16xf32>,
        %and3A_327 = arith.constant 511 : i32
        %and3A_328 = vector.broadcast %and3A_327 : i32 to vector<16xi32>
        %and3A_329 = arith.andi %gather3A_283, %and3A_328 : vector<16xi32>
        %add3A_330 = arith.addi %and3A_329, %iota3A : vector<16xi32>
        %gather3A_331 = tpu.vector_load_idx %arg15[%add3A_330] : memref<384xf32, #tpu.memory_space<vmem>>[vector<16xi32>], vector<16xf32>,
        %swap3A_332 = arith.index_cast %scan3A_281 : i32 to index
        %swap3A_333 = arith.constant 96 : index
        %swap3A_334 = tpu.vector_load %arg19[%swap3A_332, %swap3A_333] {strides = array<i32>} : memref<200x112xf32, #tpu.memory_space<vmem>>, vector<16xf32>,
        tpu.vector_store %arg19[%swap3A_332, %swap3A_333], %gather3A_331 {strides = array<i32>} : memref<200x112xf32, #tpu.memory_space<vmem>>, vector<16xf32>,
        %scan3A_335 = arith.constant 3 : i32
        %scan3A_336 = arith.addi %scan3A_177, %scan3A_335 : i32
        %broadcast_in_dim3A_337 = vector.broadcast %scan3A_336 : i32 to vector<16xi32>
        %gather3A_338 = tpu.vector_load_idx %arg12[%broadcast_in_dim3A_337] : memref<200xi32, #tpu.memory_space<vmem>>[vector<16xi32>], vector<16xi32>,
        %get3A_339 = arith.index_cast %scan3A_336 : i32 to index
        %get3A_340 = arith.constant 0 : index
        %get3A_341 = tpu.vector_load %arg17[%get3A_339, %get3A_340] {strides = array<i32>} : memref<200x128xf32, #tpu.memory_space<vmem>>, vector<16xf32>,
        %swap3A_342 = arith.index_cast %scan3A_336 : i32 to index
        %swap3A_343 = arith.constant 0 : index
        %swap3A_344 = tpu.vector_load %arg19[%swap3A_342, %swap3A_343] {strides = array<i32>} : memref<200x112xf32, #tpu.memory_space<vmem>>, vector<16xf32>,
        tpu.vector_store %arg19[%swap3A_342, %swap3A_343], %get3A_341 {strides = array<i32>} : memref<200x112xf32, #tpu.memory_space<vmem>>, vector<16xf32>,
        %get3A_345 = arith.index_cast %scan3A_336 : i32 to index
        %get3A_346 = arith.constant 16 : index
        %get3A_347 = tpu.vector_load %arg17[%get3A_345, %get3A_346] {strides = array<i32>} : memref<200x128xf32, #tpu.memory_space<vmem>>, vector<16xf32>,
        %swap3A_348 = arith.index_cast %scan3A_336 : i32 to index
        %swap3A_349 = arith.constant 16 : index
        %swap3A_350 = tpu.vector_load %arg19[%swap3A_348, %swap3A_349] {strides = array<i32>} : memref<200x112xf32, #tpu.memory_space<vmem>>, vector<16xf32>,
        tpu.vector_store %arg19[%swap3A_348, %swap3A_349], %get3A_347 {strides = array<i32>} : memref<200x112xf32, #tpu.memory_space<vmem>>, vector<16xf32>,
        %get3A_351 = arith.index_cast %scan3A_336 : i32 to index
        %get3A_352 = arith.constant 32 : index
        %get3A_353 = tpu.vector_load %arg17[%get3A_351, %get3A_352] {strides = array<i32>} : memref<200x128xf32, #tpu.memory_space<vmem>>, vector<16xf32>,
        %swap3A_354 = arith.index_cast %scan3A_336 : i32 to index
        %swap3A_355 = arith.constant 32 : index
        %swap3A_356 = tpu.vector_load %arg19[%swap3A_354, %swap3A_355] {strides = array<i32>} : memref<200x112xf32, #tpu.memory_space<vmem>>, vector<16xf32>,
        tpu.vector_store %arg19[%swap3A_354, %swap3A_355], %get3A_353 {strides = array<i32>} : memref<200x112xf32, #tpu.memory_space<vmem>>, vector<16xf32>,
        %get3A_357 = arith.index_cast %scan3A_336 : i32 to index
        %get3A_358 = arith.constant 48 : index
        %get3A_359 = tpu.vector_load %arg17[%get3A_357, %get3A_358] {strides = array<i32>} : memref<200x128xf32, #tpu.memory_space<vmem>>, vector<16xf32>,
        %swap3A_360 = arith.index_cast %scan3A_336 : i32 to index
        %swap3A_361 = arith.constant 48 : index
        %swap3A_362 = tpu.vector_load %arg19[%swap3A_360, %swap3A_361] {strides = array<i32>} : memref<200x112xf32, #tpu.memory_space<vmem>>, vector<16xf32>,
        tpu.vector_store %arg19[%swap3A_360, %swap3A_361], %get3A_359 {strides = array<i32>} : memref<200x112xf32, #tpu.memory_space<vmem>>, vector<16xf32>,
        %shift_right_logical3A_363 = arith.constant 18 : i32
        %shift_right_logical3A_364 = vector.broadcast %shift_right_logical3A_363 : i32 to vector<16xi32>
        %shift_right_logical3A_365 = arith.shrui %gather3A_338, %shift_right_logical3A_364 : vector<16xi32>
        %add3A_366 = arith.addi %shift_right_logical3A_365, %iota3A : vector<16xi32>
        %gather3A_367 = tpu.vector_load_idx %arg13[%add3A_366] : memref<112xf32, #tpu.memory_space<vmem>>[vector<16xi32>], vector<16xf32>,
        %swap3A_368 = arith.index_cast %scan3A_336 : i32 to index
        %swap3A_369 = arith.constant 64 : index
        %swap3A_370 = tpu.vector_load %arg19[%swap3A_368, %swap3A_369] {strides = array<i32>} : memref<200x112xf32, #tpu.memory_space<vmem>>, vector<16xf32>,
        tpu.vector_store %arg19[%swap3A_368, %swap3A_369], %gather3A_367 {strides = array<i32>} : memref<200x112xf32, #tpu.memory_space<vmem>>, vector<16xf32>,
        %shift_right_logical3A_371 = arith.constant 9 : i32
        %shift_right_logical3A_372 = vector.broadcast %shift_right_logical3A_371 : i32 to vector<16xi32>
        %shift_right_logical3A_373 = arith.shrui %gather3A_338, %shift_right_logical3A_372 : vector<16xi32>
        %and3A_374 = arith.constant 511 : i32
        %and3A_375 = vector.broadcast %and3A_374 : i32 to vector<16xi32>
        %and3A_376 = arith.andi %shift_right_logical3A_373, %and3A_375 : vector<16xi32>
        %add3A_377 = arith.addi %and3A_376, %iota3A : vector<16xi32>
        %gather3A_378 = tpu.vector_load_idx %arg14[%add3A_377] : memref<384xf32, #tpu.memory_space<vmem>>[vector<16xi32>], vector<16xf32>,
        %swap3A_379 = arith.index_cast %scan3A_336 : i32 to index
        %swap3A_380 = arith.constant 80 : index
        %swap3A_381 = tpu.vector_load %arg19[%swap3A_379, %swap3A_380] {strides = array<i32>} : memref<200x112xf32, #tpu.memory_space<vmem>>, vector<16xf32>,
        tpu.vector_store %arg19[%swap3A_379, %swap3A_380], %gather3A_378 {strides = array<i32>} : memref<200x112xf32, #tpu.memory_space<vmem>>, vector<16xf32>,
        %and3A_382 = arith.constant 511 : i32
        %and3A_383 = vector.broadcast %and3A_382 : i32 to vector<16xi32>
        %and3A_384 = arith.andi %gather3A_338, %and3A_383 : vector<16xi32>
        %add3A_385 = arith.addi %and3A_384, %iota3A : vector<16xi32>
        %gather3A_386 = tpu.vector_load_idx %arg15[%add3A_385] : memref<384xf32, #tpu.memory_space<vmem>>[vector<16xi32>], vector<16xf32>,
        %swap3A_387 = arith.index_cast %scan3A_336 : i32 to index
        %swap3A_388 = arith.constant 96 : index
        %swap3A_389 = tpu.vector_load %arg19[%swap3A_387, %swap3A_388] {strides = array<i32>} : memref<200x112xf32, #tpu.memory_space<vmem>>, vector<16xf32>,
        tpu.vector_store %arg19[%swap3A_387, %swap3A_388], %gather3A_386 {strides = array<i32>} : memref<200x112xf32, #tpu.memory_space<vmem>>, vector<16xf32>,
      }
      %scan3A_163 = arith.constant 200 : i32
      %dma_start3A_164 = tpu.memref_reshape %arg8 : memref<4096x200x112xf32, #tpu.memory_space<hbm>> -> memref<819200x112xf32, #tpu.memory_space<hbm>>
      %dma_start3A_165 = arith.constant 0 : i32
      %dma_start3A_166 = tpu.memref_slice %dma_start3A_164[%add3A_121, %dma_start3A_165] : memref<819200x112xf32, #tpu.memory_space<hbm>> -> memref<200x112xf32, #tpu.memory_space<hbm>>
      %dma_start3A_167 = tpu.memref_reshape %arg8 : memref<4096x200x112xf32, #tpu.memory_space<hbm>> -> memref<819200x112xf32, #tpu.memory_space<hbm>>
      %dma_start3A_168 = arith.constant 0 : i32
      %dma_start3A_169 = tpu.memref_slice %dma_start3A_167[%add3A_121, %dma_start3A_168] : memref<819200x112xf32, #tpu.memory_space<hbm>> -> memref<200x112xf32, #tpu.memory_space<hbm>>
      tpu.enqueue_dma source(%arg19 : memref<200x112xf32, #tpu.memory_space<vmem>>) target(%dma_start3A_169 : memref<200x112xf32, #tpu.memory_space<hbm>>) target_semaphore(%arg21 : memref<!tpu.dma_semaphore, #tpu.memory_space<semaphore_mem>>)
      %add3A_170 = arith.constant 2 : i32
      %add3A_171 = arith.addi %add3A_118, %add3A_170 : i32
      %lt3A_172 = arith.constant 128 : i32
      %lt3A_173 = arith.cmpi slt, %add3A_171, %lt3A_172 : i32
      %convert_element_type3A_174 = arith.extui %lt3A_173 : i1 to i32
      %cond3A_175 = arith.constant 0 : i32
      %cond3A_176 = arith.cmpi ne, %convert_element_type3A_174, %cond3A_175 : i32
      scf.if %cond3A_176 {
        %add3A_177 = arith.constant 2 : i32
        %add3A_178 = arith.addi %add3A_118, %add3A_177 : i32
        %mul3A_179 = arith.constant 200 : i32
        %mul3A_180 = arith.muli %add3A_178, %mul3A_179 : i32
        %add3A_181 = arith.addi %mul3A_2, %mul3A_180 : i32
        %dma_start3A_182 = tpu.memref_slice %arg2[%add3A_181] : memref<819200xi32, #tpu.memory_space<hbm>> -> memref<200xi32, #tpu.memory_space<hbm>>
        %dma_start3A_183 = tpu.memref_slice %arg2[%add3A_181] : memref<819200xi32, #tpu.memory_space<hbm>> -> memref<200xi32, #tpu.memory_space<hbm>>
        tpu.enqueue_dma source(%dma_start3A_183 : memref<200xi32, #tpu.memory_space<hbm>>) target(%arg10 : memref<200xi32, #tpu.memory_space<vmem>>) target_semaphore(%arg22 : memref<!tpu.dma_semaphore, #tpu.memory_space<semaphore_mem>>)
        %dma_start3A_184 = tpu.memref_slice %arg3[%add3A_181] : memref<819200xi32, #tpu.memory_space<hbm>> -> memref<200xi32, #tpu.memory_space<hbm>>
        %dma_start3A_185 = tpu.memref_slice %arg3[%add3A_181] : memref<819200xi32, #tpu.memory_space<hbm>> -> memref<200xi32, #tpu.memory_space<hbm>>
        tpu.enqueue_dma source(%dma_start3A_185 : memref<200xi32, #tpu.memory_space<hbm>>) target(%arg12 : memref<200xi32, #tpu.memory_space<vmem>>) target_semaphore(%arg22 : memref<!tpu.dma_semaphore, #tpu.memory_space<semaphore_mem>>)
      } else {
      }
    }
    %scan3A_41 = arith.constant 64 : i32
    %dma_wait3A_42 = tpu.memref_reshape %arg8 : memref<4096x200x112xf32, #tpu.memory_space<hbm>> -> memref<819200x112xf32, #tpu.memory_space<hbm>>
    %dma_wait3A_43 = arith.constant 0 : i32
    %dma_wait3A_44 = arith.constant 0 : i32
    %dma_wait3A_45 = tpu.memref_slice %dma_wait3A_42[%dma_wait3A_43, %dma_wait3A_44] : memref<819200x112xf32, #tpu.memory_space<hbm>> -> memref<200x112xf32, #tpu.memory_space<hbm>>
    %dma_wait3A_46 = tpu.memref_reshape %arg8 : memref<4096x200x112xf32, #tpu.memory_space<hbm>> -> memref<819200x112xf32, #tpu.memory_space<hbm>>
    %dma_wait3A_47 = arith.constant 0 : i32
    %dma_wait3A_48 = arith.constant 0 : i32
    %dma_wait3A_49 = tpu.memref_slice %dma_wait3A_46[%dma_wait3A_47, %dma_wait3A_48] : memref<819200x112xf32, #tpu.memory_space<hbm>> -> memref<200x112xf32, #tpu.memory_space<hbm>>
    tpu.wait_dma2 semaphore(%arg21 : memref<!tpu.dma_semaphore, #tpu.memory_space<semaphore_mem>>) src(%arg18 : memref<200x112xf32, #tpu.memory_space<vmem>>) dst(%dma_wait3A_49 : memref<200x112xf32, #tpu.memory_space<hbm>>)
    %dma_wait3A_50 = tpu.memref_reshape %arg8 : memref<4096x200x112xf32, #tpu.memory_space<hbm>> -> memref<819200x112xf32, #tpu.memory_space<hbm>>
    %dma_wait3A_51 = arith.constant 0 : i32
    %dma_wait3A_52 = arith.constant 0 : i32
    %dma_wait3A_53 = tpu.memref_slice %dma_wait3A_50[%dma_wait3A_51, %dma_wait3A_52] : memref<819200x112xf32, #tpu.memory_space<hbm>> -> memref<200x112xf32, #tpu.memory_space<hbm>>
    %dma_wait3A_54 = tpu.memref_reshape %arg8 : memref<4096x200x112xf32, #tpu.memory_space<hbm>> -> memref<819200x112xf32, #tpu.memory_space<hbm>>
    %dma_wait3A_55 = arith.constant 0 : i32
    %dma_wait3A_56 = arith.constant 0 : i32
    %dma_wait3A_57 = tpu.memref_slice %dma_wait3A_54[%dma_wait3A_55, %dma_wait3A_56] : memref<819200x112xf32, #tpu.memory_space<hbm>> -> memref<200x112xf32, #tpu.memory_space<hbm>>
    tpu.wait_dma2 semaphore(%arg21 : memref<!tpu.dma_semaphore, #tpu.memory_space<semaphore_mem>>) src(%arg19 : memref<200x112xf32, #tpu.memory_space<vmem>>) dst(%dma_wait3A_57 : memref<200x112xf32, #tpu.memory_space<hbm>>)
    return
  }
}

</mosaic_0001>

<sc_bundles>
// kernel: _launch.3.cloned.1.call-start
scs
__scs_entry_jumppad:
0x0: {  	(pc) =	sbr.rel $0x88, $3  }
0x1: {  	(tag) =	ssettag $0x0;
	lr =	simm.s32 $0x1  }
0x2: {  	[smem:$0x3F9B] =	sst lr;
	_ =	strace $0xD0000000  }
0x3: {  	_ = 	snop  }
0x4: {  	_ = 	snop  }
0x5: {  	_ = 	snop  }
0x6: {  	_ = 	snop  }
0x7: {  	_ = 	snop  }
__scs_overlays_trampoline_lowered:
0x8: {  	[smem:$0x3FAA] =	sst s0  }
0x9: {  	[smem:$0x3FAB] =	sst s1  }
0xa: {  	[smem:$0x3FAC] =	sst s2  }
0xb: {  	[smem:$0x3FAD] =	sst s3  }
0xc: {  	[smem:$0x3FAE] =	sst s4  }
0xd: {  	[smem:$0x3FAF] =	sst s5  }
0xe: {  	[smem:$0x3FB0] =	sst s6  }
0xf: {  	[smem:$0x3FB1] =	sst s7  }
0x10: {  	[smem:$0x3FB2] =	sst s8  }
0x11: {  	[smem:$0x3FB3] =	sst s9;
	s0 =	simm.s32 @!p0 $0x0  }
0x12: {  	s1 =	sld [smem:$0x3F99];
	s0 =	simm.s32 @p0 $0x1  }
0x13: {  	[smem:$0x3FB4] =	sst s0;
	s0 =	simm.s32 @!p1 $0x0  }
0x14: {  	s2 =	sld [smem:$0x3F98];
	s0 =	simm.s32 @p1 $0x1  }
0x15: {  	[smem:$0x3FB5] =	sst s0;
	s0 =	simm.s32 @!p2 $0x0  }
0x16: {  	s3 =	sld [smem:$0x3FDB];
	s0 =	simm.s32 @p2 $0x1  }
0x17: {  	s4 =	simm.s32 $0x1BF5;
	[smem:$0x3FB7] =	sst s0  }
0x18: {  	s0 =	sld [smem:$0x3F9A];
	_ =	swait.ge [sflag:s4], $0x0  }
0x19: {  	s7 =	sld [smem:$0x3F9B]  }
0x1a: {  	s8 =	sadd.s32 $0xFFFFE003, lr  }
0x1b: {  	s9 =	sadd.s32 $0xFFFFFEF7, lr;
	s5 =	simm.s32 $0xFFFFFFFF;
	p2 =	slt.u32 s8, $0xFFFFF086  }
0x1c: {  	p1 =	slt.u32 s9, $0xF7A;
	s5 =	simm.s32 @!p2 $0x0  }
0x1d: {  	s5 =	simm.s32 @p1 $0x1;
	p0 =	seq.s32 s7, s2  }
0x1e: {  	s7 =	smul.u32 @!p0 $0xF7A, s2;
	p2 =	seq.s32 @!p0 s5, $0x0  }
0x1f: {  	s9 =	smul.u32 $0xF7A, s1;
	s8 =	simm.s32 @!p0 $0x1BF5;
	p2 =	por !p2, p0  }
0x20: {  	[sflag:s8] =	ssyncset.s32 @!p0 $0xFFFFF086;
	s6 =	sadd.s32 @!p0 s3, s7;
	s7 =	simm.s32 @!p0 $0x108  }
0x21: {  	s3 =	sadd.s32 s3, s9;
	s6 =	sadd.s32 @!p0 $0x88, s6;
	s7 =	simm.s32 @p2 $0x1082  }
0x22: {  	[simem:s7], [sflag:s8] =	dma.local @!p0 [hbm:s6], $0xF7A  }
0x23: {  	s9 =	sor.u32 $0xD0000000, s2;
	s6 =	simm.s32 $0x108;
	_ =	swait.ge @!p0 [sflag:s8], $0x0  }
0x24: {  	s3 =	sadd.s32 $0x88, s3;
	s6 =	simm.s32 @!p1 $0x1082;
	[sflag:s4] =	ssyncset.s32 $0xFFFFF086  }
0x25: {  	[simem:s6], [sflag:s4] =	dma.local [hbm:s3], $0xF7A  }
0x26: {  	[smem:$0x3F9B] =	sst s1;
	(tag) =	ssettag s2;
	_ =	strace s9  }
0x27: {  	s1 =	sld [smem:$0x3FAB]  }
0x28: {  	s2 =	sld [smem:$0x3FAC]  }
0x29: {  	s4 =	sld [smem:$0x3FAE]  }
0x2a: {  	p0 =	seq.s32 s5, $0x0;
	s5 =	sld [smem:$0x3FAF]  }
0x2b: {  	s6 =	sld [smem:$0x3FB0]  }
0x2c: {  	s7 =	sld [smem:$0x3FB1]  }
0x2d: {  	s3 =	simm.s32 $0x108;
	s8 =	sld [smem:$0x3FB2]  }
0x2e: {  	s3 =	simm.s32 @!p0 $0x1082;
	s9 =	sld [smem:$0x3FB3]  }
0x2f: {  	lr =	sadd.s32 s0, s3;
	s0 =	sld [smem:$0x3FAA]  }
0x30: {  	s3 =	sld [smem:$0x3FAD]  }
0x31: {  	[smem:$0x3FB6] =	sst s10  }
0x32: {  	s10 =	sld [smem:$0x3FB4];
	_ =	sdelay $0x3  }
0x33: {  	p0 =	seq.s32 s10, $0x1;
	s10 =	sld [smem:$0x3FB6];
	_ =	sdelay $0x3  }
0x34: {  	[smem:$0x3FB6] =	sst s10  }
0x35: {  	s10 =	sld [smem:$0x3FB5];
	_ =	sdelay $0x3  }
0x36: {  	p1 =	seq.s32 s10, $0x1;
	s10 =	sld [smem:$0x3FB6];
	_ =	sdelay $0x3  }
0x37: {  	[smem:$0x3FB6] =	sst s10  }
0x38: {  	s10 =	sld [smem:$0x3FB7]  }
0x39: {  	_ = 	snop;
	(pc) =	sbr.ind lr, $3  }
0x3a: {  	_ = 	snop  }
0x3b: {  	_ = 	snop  }
0x3c: {  	p2 =	seq.s32 s10, $0x1;
	s10 =	sld [smem:$0x3FB6]  }
0x3d: {  	_ =	shalt  }
0x3e: {  	_ =	shalt  }
0x3f: {  	_ =	shalt  }
0x40: {  	_ =	shalt  }
0x41: {  	_ =	shalt  }
0x42: {  	_ =	shalt  }
0x43: {  	_ =	shalt  }
0x44: {  	_ =	shalt  }
0x45: {  	_ =	shalt  }
0x46: {  	_ =	shalt  }
0x47: {  	_ =	shalt  }
0x48: {  	_ =	shalt  }
0x49: {  	_ =	shalt  }
0x4a: {  	_ =	shalt  }
0x4b: {  	_ =	shalt  }
0x4c: {  	_ =	shalt  }
0x4d: {  	_ =	shalt  }
0x4e: {  	_ =	shalt  }
0x4f: {  	_ =	shalt  }
0x50: {  	_ =	shalt  }
0x51: {  	_ =	shalt  }
0x52: {  	_ =	shalt  }
0x53: {  	_ =	shalt  }
0x54: {  	_ =	shalt  }
0x55: {  	_ =	shalt  }
0x56: {  	_ =	shalt  }
0x57: {  	_ =	shalt  }
0x58: {  	_ =	shalt  }
0x59: {  	_ =	shalt  }
0x5a: {  	_ =	shalt  }
0x5b: {  	_ =	shalt  }
0x5c: {  	_ =	shalt  }
0x5d: {  	_ =	shalt  }
0x5e: {  	_ =	shalt  }
0x5f: {  	_ =	shalt  }
0x60: {  	_ =	shalt  }
0x61: {  	_ =	shalt  }
0x62: {  	_ =	shalt  }
0x63: {  	_ =	shalt  }
0x64: {  	_ =	shalt  }
0x65: {  	_ =	shalt  }
0x66: {  	_ =	shalt  }
0x67: {  	_ =	shalt  }
0x68: {  	_ =	shalt  }
0x69: {  	_ =	shalt  }
0x6a: {  	_ =	shalt  }
0x6b: {  	_ =	shalt  }
0x6c: {  	_ =	shalt  }
0x6d: {  	_ =	shalt  }
0x6e: {  	_ =	shalt  }
0x6f: {  	_ =	shalt  }
0x70: {  	_ =	shalt  }
0x71: {  	_ =	shalt  }
0x72: {  	_ =	shalt  }
0x73: {  	_ =	shalt  }
0x74: {  	_ =	shalt  }
0x75: {  	_ =	shalt  }
0x76: {  	_ =	shalt  }
0x77: {  	_ =	shalt  }
0x78: {  	_ =	shalt  }
0x79: {  	_ =	shalt  }
0x7a: {  	_ =	shalt  }
0x7b: {  	_ =	shalt  }
0x7c: {  	_ =	shalt  }
0x7d: {  	_ =	shalt  }
0x7e: {  	_ =	shalt  }
0x7f: {  	_ =	shalt  }
0x80: {  	_ =	shalt  }
0x81: {  	_ =	shalt  }
0x82: {  	_ =	shalt  }
0x83: {  	_ =	shalt  }
0x84: {  	_ =	shalt  }
0x85: {  	_ =	shalt  }
0x86: {  	_ =	shalt  }
0x87: {  	_ =	shalt  }
.Lfunc_end0:
.L_simem_size_0:
called_computation_lowered:
.L_overlay_start_0:
0x88: {  	s2 =	sld [smem:$0x3FD9]  }
0x89: {  	s3 =	sld [smem:$0x3FFE];
	_ =	sdelay $0x1  }
0x8a: {  	s1 =	srdreg.scid  }
0x8b: {  	s0 =	sand.u32 $0x1, s1  }
0x8c: {  	s17 =	sshll.u32 s0, $0xA;
	s2 =	sadd.s32 s3, s2  }
0x8d: {  	s2 =	sadd.s32 s2, s17  }
0x8e: {  	[smem:$0x3FC2] =	sst s2  }
0x8f: {  	_ = 	snop  }
0x90: {  	s2 =	sld [smem:$0x3FC9]  }
0x91: {  	s18 =	sld [smem:$0x3FC8]  }
0x92: {  	s4 =	sld [smem:$0x3FC7]  }
0x93: {  	s5 =	sld [smem:$0x3FC6]  }
0x94: {  	s6 =	sld [smem:$0x3FC5]  }
0x95: {  	s7 =	sld [smem:$0x3FC4];
	(tm) =	ssettm $0x1  }
0x96: {  	s8 =	sld [smem:$0x3FFB];
	_ =	sdelay $0x3  }
0x97: {  	_ =	strace s8  }
0x98: {  	s8 =	sld [smem:$0x3FFC];
	_ =	sdelay $0x3  }
0x99: {  	_ =	strace s8  }
0x9a: {  	s8 =	sld [smem:$0x3FFD];
	_ =	sdelay $0x3  }
0x9b: {  	_ =	strace s8  }
0x9c: {  	_ =	strace $0x8FFFFFFF  }
0x9d: {  	s19 =	sld [smem:$0x3FDB];
	_ =	sdelay $0x1  }
0x9e: {  	s9 =	simm.s32 $_scs_section_size  }
0x9f: {  	s10 =	simm.s32 $_size__tile_overlayer_lowered;
	s11 =	simm.s32 $_tile_overlayer_lowered  }
0xa0: {  	s22 =	simm.s32 $0x1BFF;
	s21 =	sshll.u32 s11, $0x1;
	s8 =	sadd.s32 s9, s19  }
0xa1: {  	s12 =	simm.s32 $0x0;
	s20 =	sshll.u32 s10, $0x1;
	s10 =	sadd.s32 s21, s8  }
0xa2: {  	[timem:s12], [sflag:s22] =	dma.local [hbm:s10], s20  }
0xa3: {  	_ =	swait.ge [sflag:s22], s20  }
0xa4: {  	s9 =	ssub.s32 $0x0, s20;
	[sflag:s22] =	ssyncset.done $0x0  }
0xa5: {  	[sflag:s22] =	ssyncadd.s32 s9;
	_ =	sdelay $0x1  }
0xa6: {  	s23 =	simm.s32 $0x1B8B  }
0xa7: {  	_ =	swait.ge [sflag:s23], $0x1  }
0xa8: {  	[sflag:s23] =	ssyncset.done $0x0  }
0xa9: {  	s25 =	simm.s32 $0x1B8E;
	s24 =	sld [smem:$0x3FFE];
	[sflag:s23] =	ssyncadd.s32 $0xFFFFFFFF  }
0xaa: {  	s26 =	simm.s32 $execute0_lowered;
	[smem:$0x3FD2] =	sst s25  }
0xab: {  	s10 =	sshll.u32 s26, $0x1;
	_ =	strace $0x80000046;
	[dreg:$0x1] =	wrdreg $0xFFFFFFFF  }
0xac: {  	s28 =	simm.s32 $_size_execute0_lowered;
	s8 =	sadd.s32 s8, s10;
	[dreg:$0x0] =	wrdreg $0x0  }
0xad: {  	s10 =	sshll.u32 s28, $0x1;
	[dreg:$0x2] =	wrdreg s8  }
0xae: {  	[dreg:$0x3] =	wrdreg s10  }
0xaf: {  	[dreg:$0x4] =	wrdreg $0xC0  }
0xb0: {  	_ =	task [dreg:s12], $0x5FFFF  }
0xb1: {  	[dreg:$0x1] =	wrdreg $0xFFFFFFFF  }
0xb2: {  	[dreg:$0x0] =	wrdreg $0x60  }
0xb3: {  	[dreg:$0x2] =	wrdreg s2  }
0xb4: {  	[dreg:$0x3] =	wrdreg s18  }
0xb5: {  	[dreg:$0x4] =	wrdreg s4  }
0xb6: {  	[dreg:$0x5] =	wrdreg s5  }
0xb7: {  	[dreg:$0x6] =	wrdreg s6  }
0xb8: {  	[dreg:$0x7] =	wrdreg s7  }
0xb9: {  	[dreg:$0x8] =	wrdreg s24  }
0xba: {  	[dreg:$0x9] =	wrdreg $0x9  }
0xbb: {  	_ =	task.clear_ibuf [dreg:s12], $0xAFFFF;
	_ =	strace $0x90000046  }
0xbc: {  	s29 =	simm.s32 $0x9;
	_ =	strace $0x80000048  }
0xbd: {  	_ =	swait.ge [sflag:s29], $0x1  }
0xbe: {  	[sflag:s29] =	ssyncadd.s32 $0xFFFFFFFF  }
0xbf: {  	_ =	strace $0x90000048  }
0xc0: {  	_ =	sfence  }
0xc1: {  	s30 =	sld [smem:$0x0];
	_ =	sdelay $0x2  }
0xc2: {  	s31 =	sshll.u32 s1, $0xD;
	s1 =	sshrl.u32 s1, $0x2  }
0xc3: {  	s3 =	sand.u32 $0x4000, s31;
	s1 =	sadd.s32 s1, s30  }
0xc4: {  	s0 =	sor.u32 s3, s0;
	s1 =	sshll.u32 s1, $0x11  }
0xc5: {  	s0 =	sor.u32 s1, s0  }
0xc6: {  	s0 =	sadd.s32 $0x8F2B, s0  }
0xc7: {  	[sflag:s0] =	ssyncadd.remote.s32 $0x1  }
0xc8: {  	_ =	sfence.sel $0xFFFF  }
0xc9: {  	[dreg:$0x0] =	wrdreg $0xFFFFFFFF;
	(pc) =	sbr.abs _section_cstart, $3  }
0xca: {  	[dreg:$0x1] =	wrdreg $0xFFFFFFFF  }
0xcb: {  	_ =	task.clear_ibuf [dreg:s12], $0x2FFFF;
	_ =	strace $0x9FFFFFFF  }
0xcc: {  	(tm) =	ssettm $0x7FFFFFFF  }
0xcd: {  	_ =	shalt  }
tec
execute0_lowered:
.L_overlay_start_1:
0x0: {  	(tag) =	ssettag $0x1  }
0x1: {  	s0 =	rddreg [dreg:$0x0]  }
0x2: {  	s1 =	rddreg [dreg:$0x1]  }
0x3: {  	s2 =	rddreg [dreg:$0x2]  }
0x4: {  	s3 =	srdreg.scid;
	s5 =	stileid.u32  }
0x5: {  	s4 =	rddreg [dreg:$0x6];
	s8 =	simm.s32 $0x0;
	s19 =	simm.s32 $0x400  }
0x6: {  	s21 =	simm.s32 $0x480;
	s28 =	simm.s32 $0x48;
	s30 =	simm.s32 $0x100  }
0x7: {  	s31 =	simm.s32 $0x300;
	s6 =	simm.s32 $0x1;
	s7 =	simm.s32 $0xCF80  }
0x8: {  	s29 =	simm.s32 $0x13380;
	s3 =	sand.u32 $0x1, s3;
	s5 =	sshll.u32 s5, $0x1  }
0x9: {  	s11 =	simm.s32 $0x0;
	s5 =	sor.u32 s3, s5;
	s3 =	ssub.s32 $0x2, s3  }
0xa: {  	[smem:$0x7FF] =	sst s8;
	s9 =	smul.u32 $0x6400, s5;
	s22 =	sshrl.u32 s3, $0x1  }
0xb: {  	s10 =	sadd.s32 $0x400, s4;
	_ =	strace $0x80000047;
	s3 =	ssub.s32 s3, s22  }
0xc: {  	s22 =	simm.s32 $0x600;
	s5 =	sshrl.u32 s9, $0x3;
	s26 =	sor.u32 $0x190, s9  }
0xd: {  	s16 =	sor.u32 $0xC8, s9;
	s3 =	smax.u32 s3, $0x1;
	[dreg:$0xc] =	wrdreg s26  }
0xe: {  	s23 =	sadd.s32 s0, s5;
	s24 =	sor.u32 $0x19, s5;
	[dreg:$0xd] =	wrdreg s3  }
.Ltmp0:
0xf: {  	s5 =	sadd.s32 s1, s5;
	[dreg:$0x8] =	wrdreg s23;
	(pc) =	sbr.rel .LBB2_1-.Ltmp0, $4  }
0x10: {  	s17 =	sor.u32 $0x258, s9;
	s26 =	simm.s32 $0x2;
	[dreg:$0x9] =	wrdreg s5  }
0x11: {  	s25 =	sadd.s32 s0, s24;
	s4 =	sadd.s32 s1, s24;
	s23 =	simm.s32 $0x200  }
0x12: {  	s24 =	simm.s32 $0x3;
	s5 =	simm.s32 $0xAB80;
	[dreg:$0xa] =	wrdreg s25  }
0x13: {  	v0 =	vlaneseq.u32;
	[dreg:$0xb] =	wrdreg s4;
	s25 =	simm.s32 $0x80;
	s4 =	simm.s32 $0x180  }
.LBB2_11:
0x14: {  	_ =	swait.ge [sflag:s26], $0x6400  }
0x15: {  	[sflag:s26] =	ssyncset.done $0x0  }
0x16: {  	[sflag:s26] =	ssyncadd.s32 $0xFFFF9C00  }
0x17: {  	_ =	swait.ge [sflag:s26], $0x6400  }
0x18: {  	s11 =	rddreg [dreg:$0xe]  }
0x19: {  	s3 =	rddreg [dreg:$0xd];
	s11 =	sadd.s32 $0x1, s11  }
0x1a: {  	p0 =	sne.s32 s11, s3  }
.Ltmp1:
0x1b: {  	_ = 	snop;
	(pc) =	sbr.rel @!p0 .LBB2_12-.Ltmp1, $3  }
0x1c: {  	_ =	sdelay $0x1  }
0x1d: {  	[sflag:s26] =	ssyncset.done $0x0  }
0x1e: {  	[sflag:s26] =	ssyncadd.s32 $0xFFFF9C00  }
.LBB2_1:
0x1f: {  	[dreg:$0xe] =	wrdreg s11  }
0x20: {  	s3 =	rddreg [dreg:$0x3];
	s15 =	simm.s32 $0x4  }
0x21: {  	[tilespmem:s19], [sflag:$0x4] =	stream.linear.gather [hbm4b:s3+s8], $0x80, $0x38;
	[tilespmem:$0x19780] =	vst v63  }
0x22: {  	_ =	swait.ge [sflag:s15], $0x80  }
0x23: {  	[sflag:s15] =	ssyncset.done $0x0  }
0x24: {  	[sflag:s15] =	ssyncadd.s32 $0xFFFFFF80  }
0x25: {  	s18 =	rddreg [dreg:$0x4]  }
0x26: {  	[tilespmem:s21], [sflag:$0x4] =	stream.linear.gather [hbm4b:s18+s8], $0x180, $0x38;
	[tilespmem:$0x19780] =	vst v63  }
0x27: {  	_ =	swait.ge [sflag:s15], $0x180  }
0x28: {  	[sflag:s15] =	ssyncset.done $0x0  }
0x29: {  	[sflag:s15] =	ssyncadd.s32 $0xFFFFFE80  }
0x2a: {  	s20 =	rddreg [dreg:$0x5]  }
0x2b: {  	[tilespmem:s22], [sflag:$0x4] =	stream.linear.gather [hbm4b:s20+s8], $0x180, $0x38;
	[tilespmem:$0x19780] =	vst v63  }
0x2c: {  	_ =	swait.ge [sflag:s15], $0x180  }
0x2d: {  	[sflag:s15] =	ssyncset.done $0x0  }
0x2e: {  	s12 =	rddreg [dreg:$0x8];
	[sflag:s15] =	ssyncadd.s32 $0xFFFFFE80  }
0x2f: {  	[tilespmem:s8], [sflag:$0x3] =	stream.linear.gather [hbm4b:s12+s8], $0xC8, $0x38;
	[tilespmem:$0x19780] =	vst v63  }
0x30: {  	s13 =	rddreg [dreg:$0x9]  }
0x31: {  	[tilespmem:s23], [sflag:$0x3] =	stream.linear.gather [hbm4b:s13+s8], $0xC8, $0x38;
	[tilespmem:$0x19780] =	vst v63  }
0x32: {  	_ =	swait.ge [sflag:s24], $0xC8  }
0x33: {  	[sflag:s24] =	ssyncset.done $0x0  }
0x34: {  	[sflag:s24] =	ssyncadd.s32 $0xFFFFFF38  }
0x35: {  	_ =	swait.ge [sflag:s24], $0xC8  }
0x36: {  	[sflag:s24] =	ssyncset.done $0x0  }
0x37: {  	s14 =	simm.s32 $0x780;
	[sflag:s24] =	ssyncadd.s32 $0xFFFFFF38  }
0x38: {  	[tilespmem:s14], [sflag:$0x1] =	stream.indirect.gather [hbm4b:s2+s25], $0x80, s8, s25, $0xb8;
	[tilespmem:$0x19780] =	vst v63  }
0x39: {  	s15 =	simm.s32 $0x4780  }
0x3a: {  	[tilespmem:s15], [sflag:$0x1] =	stream.indirect.gather [hbm4b:s2+s28], $0x80, s25, s28, $0xb8;
	[tilespmem:$0x19780] =	vst v63  }
0x3b: {  	s18 =	rddreg [dreg:$0xa]  }
0x3c: {  	[tilespmem:s30], [sflag:$0x3] =	stream.linear.gather [hbm4b:s18+s8], $0xC8, $0x38;
	[tilespmem:$0x19780] =	vst v63  }
0x3d: {  	s12 =	simm.s32 $0x0;
	s20 =	rddreg [dreg:$0xb]  }
0x3e: {  	[tilespmem:s31], [sflag:$0x3] =	stream.linear.gather [hbm4b:s20+s8], $0xC8, $0x38;
	[tilespmem:$0x19780] =	vst v63  }
.LBB2_2:
0x3f: {  	p0 =	seq.s32 s12, $0x0  }
0x40: {  	s11 =	simm.s32 @!p0 $0x2  }
0x41: {  	_ =	swait.ge @!p0 [sflag:s11], $0x6400  }
0x42: {  	[sflag:s11] =	ssyncset.done @!p0 $0x0  }
0x43: {  	[sflag:s11] =	ssyncadd.s32 @!p0 $0xFFFF9C00  }
0x44: {  	_ =	swait.ge [sflag:s6], $0x4000  }
0x45: {  	[sflag:s6] =	ssyncset.done $0x0  }
0x46: {  	[sflag:s6] =	ssyncadd.s32 $0xFFFFC000  }
0x47: {  	_ =	swait.ge [sflag:s6], $0x2400  }
0x48: {  	[sflag:s6] =	ssyncset.done $0x0  }
0x49: {  	[sflag:s6] =	ssyncadd.s32 $0xFFFFDC00  }
0x4a: {  	_ =	swait.ge [sflag:s24], $0xC8  }
0x4b: {  	[sflag:s24] =	ssyncset.done $0x0  }
0x4c: {  	[sflag:s24] =	ssyncadd.s32 $0xFFFFFF38  }
0x4d: {  	_ =	swait.ge [sflag:s24], $0xC8  }
0x4e: {  	[sflag:s24] =	ssyncset.done $0x0  }
0x4f: {  	s20 =	simm.s32 $0x0;
	s3 =	simm.s32 $0x6B80;
	[sflag:s24] =	ssyncadd.s32 $0xFFFFFF38  }
0x50: {  	v1 =	vmov s20;
	[tilespmem:s3], [sflag:$0x1] =	stream.indirect.gather [hbm4b:s2+s25], $0x80, s30, s25, $0xb8;
	[tilespmem:$0x19780] =	vst v63  }
0x51: {  	s18 =	simm.s32 $0x880;
	v1 =	vand.u32 $0xFFFFFFFC, v1  }
0x52: {  	v1 =	vbroadcast v1, $0x0;
	[tilespmem:s5], [sflag:$0x1] =	stream.indirect.gather [hbm4b:s2+s28], $0x80, s4, s28, $0xb8;
	[tilespmem:$0x19780] =	vst v63  }
0x53: {  	v2 =	vld [tilespmem:s18+$0xFFFFFF00];
	_ =	sdelay $0x3  }
0x54: {  	s14 =	simm.s32 $0xD080  }
0x55: {  	v1 =	vld.idx.msk [tilespmem:v1+s23+$0x0], $0xffff;
	[tilespmem:s14+$0xFFFFFF00] =	vst v2  }
0x56: {  	v2 =	vld [tilespmem:s18+$0xFFFFFF10];
	_ =	sdelay $0x4  }
0x57: {  	[tilespmem:s14+$0xFFFFFF10] =	vst v2  }
0x58: {  	v2 =	vld [tilespmem:s18+$0xFFFFFF20];
	_ =	sdelay $0x4  }
0x59: {  	[tilespmem:s14+$0xFFFFFF20] =	vst v2  }
0x5a: {  	v2 =	vshrl.u32 v1, $0x12;
	v3 =	vld [tilespmem:s18+$0xFFFFFF30]  }
0x5b: {  	v2 =	vadd.s32 v0, v2;
	_ =	sdelay $0x3  }
0x5c: {  	v4 =	vshrl.u32 v1, $0x9;
	[tilespmem:s14+$0xFFFFFF30] =	vst v3  }
0x5d: {  	v3 =	vand.u32 $0x1FF, v4;
	v2 =	vld.idx.msk [tilespmem:v2+s19+$0x0], $0xffff  }
0x5e: {  	v3 =	vadd.s32 v0, v3;
	_ =	sdelay $0x3  }
0x5f: {  	[tilespmem:s14+$0xFFFFFF40] =	vst v2  }
0x60: {  	v1 =	vand.u32 $0x1FF, v1;
	v2 =	vld.idx.msk [tilespmem:v3+s21+$0x0], $0xffff  }
0x61: {  	v1 =	vadd.s32 v0, v1;
	_ =	sdelay $0x3  }
0x62: {  	[tilespmem:s14+$0xFFFFFF50] =	vst v2  }
0x63: {  	v1 =	vld.idx.msk [tilespmem:v1+s22+$0x0], $0xffff;
	_ =	sdelay $0x1  }
0x64: {  	s13 =	simm.s32 $0x1  }
0x65: {  	v2 =	vmov s13  }
0x66: {  	v2 =	vand.u32 $0xFFFFFFFD, v2  }
0x67: {  	v2 =	vbroadcast v2, $0x0;
	[tilespmem:s14+$0xFFFFFF60] =	vst v1  }
0x68: {  	v1 =	vld [tilespmem:s18+$0xFFFFFF80];
	_ =	sdelay $0x4  }
0x69: {  	v2 =	vld.idx.msk [tilespmem:v2+s23+$0x0], $0xffff;
	[tilespmem:s14+$0xFFFFFF80] =	vst v1  }
0x6a: {  	v1 =	vld [tilespmem:s18+$0xFFFFFF90];
	_ =	sdelay $0x4  }
0x6b: {  	[tilespmem:s14+$0xFFFFFF90] =	vst v1  }
0x6c: {  	v1 =	vld [tilespmem:s18+$0xFFFFFFA0];
	_ =	sdelay $0x4  }
0x6d: {  	[tilespmem:s14+$0xFFFFFFA0] =	vst v1  }
0x6e: {  	v3 =	vshrl.u32 v2, $0x12;
	v1 =	vld [tilespmem:s18+$0xFFFFFFB0]  }
0x6f: {  	v3 =	vadd.s32 v0, v3;
	_ =	sdelay $0x3  }
0x70: {  	[tilespmem:s14+$0xFFFFFFB0] =	vst v1;
	v1 =	vshrl.u32 v2, $0x9  }
0x71: {  	v3 =	vld.idx.msk [tilespmem:v3+s19+$0x0], $0xffff;
	v1 =	vand.u32 $0x1FF, v1  }
0x72: {  	v1 =	vadd.s32 v0, v1;
	_ =	sdelay $0x3  }
0x73: {  	[tilespmem:s14+$0xFFFFFFC0] =	vst v3  }
0x74: {  	v2 =	vand.u32 $0x1FF, v2;
	v1 =	vld.idx.msk [tilespmem:v1+s21+$0x0], $0xffff  }
0x75: {  	v2 =	vadd.s32 v0, v2;
	_ =	sdelay $0x3  }
0x76: {  	[tilespmem:s14+$0xFFFFFFD0] =	vst v1  }
0x77: {  	v1 =	vld.idx.msk [tilespmem:v2+s22+$0x0], $0xffff;
	_ =	sdelay $0x1  }
0x78: {  	s15 =	simm.s32 $0x2  }
0x79: {  	v2 =	vmov s15  }
0x7a: {  	v2 =	vand.u32 $0xFFFFFFFE, v2  }
0x7b: {  	v2 =	vbroadcast v2, $0x0;
	[tilespmem:s14+$0xFFFFFFE0] =	vst v1  }
0x7c: {  	v1 =	vld [tilespmem:s18+$0x0];
	_ =	sdelay $0x4  }
0x7d: {  	v2 =	vld.idx.msk [tilespmem:v2+s23+$0x0], $0xffff;
	[tilespmem:s14+$0x0] =	vst v1  }
0x7e: {  	v1 =	vld [tilespmem:s18+$0x10];
	_ =	sdelay $0x4  }
0x7f: {  	[tilespmem:s14+$0x10] =	vst v1  }
0x80: {  	v1 =	vld [tilespmem:s18+$0x20];
	_ =	sdelay $0x4  }
0x81: {  	[tilespmem:s14+$0x20] =	vst v1  }
0x82: {  	v3 =	vshrl.u32 v2, $0x12;
	v1 =	vld [tilespmem:s18+$0x30]  }
0x83: {  	v3 =	vadd.s32 v0, v3;
	_ =	sdelay $0x3  }
0x84: {  	[tilespmem:s14+$0x30] =	vst v1;
	v1 =	vshrl.u32 v2, $0x9  }
0x85: {  	v3 =	vld.idx.msk [tilespmem:v3+s19+$0x0], $0xffff;
	v1 =	vand.u32 $0x1FF, v1  }
0x86: {  	v1 =	vadd.s32 v0, v1;
	_ =	sdelay $0x3  }
0x87: {  	[tilespmem:s14+$0x40] =	vst v3  }
0x88: {  	v2 =	vand.u32 $0x1FF, v2;
	v1 =	vld.idx.msk [tilespmem:v1+s21+$0x0], $0xffff  }
0x89: {  	v2 =	vadd.s32 v0, v2;
	_ =	sdelay $0x3  }
0x8a: {  	[tilespmem:s14+$0x50] =	vst v1  }
0x8b: {  	v1 =	vld.idx.msk [tilespmem:v2+s22+$0x0], $0xffff;
	_ =	sdelay $0x4  }
0x8c: {  	s20 =	simm.s32 $0x3;
	[tilespmem:s14+$0x60] =	vst v1  }
0x8d: {  	v1 =	vmov s20;
	v2 =	vld [tilespmem:s18+$0x80];
	_ =	sdelay $0x4  }
0x8e: {  	v1 =	vld.idx.msk [tilespmem:v1+s23+$0x0], $0xffff;
	[tilespmem:s14+$0x80] =	vst v2  }
0x8f: {  	v2 =	vld [tilespmem:s18+$0x90];
	_ =	sdelay $0x4  }
0x90: {  	[tilespmem:s14+$0x90] =	vst v2  }
0x91: {  	v2 =	vld [tilespmem:s18+$0xA0];
	_ =	sdelay $0x4  }
0x92: {  	[tilespmem:s14+$0xA0] =	vst v2  }
0x93: {  	v3 =	vshrl.u32 v1, $0x12;
	v2 =	vld [tilespmem:s18+$0xB0]  }
0x94: {  	v3 =	vadd.s32 v0, v3;
	_ =	sdelay $0x3  }
0x95: {  	[tilespmem:s14+$0xB0] =	vst v2;
	v2 =	vshrl.u32 v1, $0x9  }
0x96: {  	v3 =	vld.idx.msk [tilespmem:v3+s19+$0x0], $0xffff;
	v2 =	vand.u32 $0x1FF, v2  }
0x97: {  	v2 =	vadd.s32 v0, v2;
	_ =	sdelay $0x3  }
0x98: {  	[tilespmem:s14+$0xC0] =	vst v3  }
0x99: {  	v1 =	vand.u32 $0x1FF, v1;
	v2 =	vld.idx.msk [tilespmem:v2+s21+$0x0], $0xffff  }
0x9a: {  	v1 =	vadd.s32 v0, v1;
	_ =	sdelay $0x3  }
0x9b: {  	[tilespmem:s14+$0xD0] =	vst v2  }
0x9c: {  	v1 =	vld.idx.msk [tilespmem:v1+s22+$0x0], $0xffff  }
0x9d: {  	s13 =	smul.u32 $0x190, s12  }
0x9e: {  	s11 =	simm.s32 $0x4  }
0x9f: {  	s15 =	simm.s32 $0x8;
	s20 =	sadd.s32 s9, s13;
	v2 =	vmov s11  }
.LBB2_3:
0xa0: {  	p1 =	slt.u32 s15, $0xC4;
	v2 =	vand.u32 $0xFFFFFFFC, v2  }
0xa1: {  	s18 =	sadd.s32 $0x200, s18;
	v2 =	vbroadcast v2, $0x0;
	[tilespmem:s14+$0xE0] =	vst v1  }
0xa2: {  	v1 =	vld [tilespmem:s18+$0xFFFFFF00];
	_ =	sdelay $0x3  }
0xa3: {  	s14 =	sadd.s32 $0x200, s14  }
0xa4: {  	v2 =	vld.idx.msk [tilespmem:v2+s23+$0x0], $0xffff;
	[tilespmem:s14+$0xFFFFFF00] =	vst v1  }
0xa5: {  	v1 =	vld [tilespmem:s18+$0xFFFFFF10];
	_ =	sdelay $0x4  }
0xa6: {  	v3 =	vshrl.u32 v2, $0x9;
	[tilespmem:s14+$0xFFFFFF10] =	vst v1;
	v1 =	vshrl.u32 v2, $0x12;
	v2 =	vand.u32 $0x1FF, v2  }
0xa7: {  	v4 =	vld [tilespmem:s18+$0xFFFFFF20];
	_ =	sdelay $0x4  }
0xa8: {  	[tilespmem:s14+$0xFFFFFF20] =	vst v4  }
0xa9: {  	v4 =	vld [tilespmem:s18+$0xFFFFFF30]  }
0xaa: {  	v1 =	vadd.s32 v0, v1;
	_ =	sdelay $0x3  }
0xab: {  	[tilespmem:s14+$0xFFFFFF30] =	vst v4  }
0xac: {  	v1 =	vld.idx.msk [tilespmem:v1+s19+$0x0], $0xffff  }
0xad: {  	v3 =	vand.u32 $0x1FF, v3  }
0xae: {  	v3 =	vadd.s32 v0, v3;
	_ =	sdelay $0x3  }
0xaf: {  	[tilespmem:s14+$0xFFFFFF40] =	vst v1  }
0xb0: {  	v1 =	vld.idx.msk [tilespmem:v3+s21+$0x0], $0xffff;
	_ =	sdelay $0x1  }
0xb1: {  	v2 =	vadd.s32 v0, v2;
	_ =	sdelay $0x3  }
0xb2: {  	[tilespmem:s14+$0xFFFFFF50] =	vst v1  }
0xb3: {  	v1 =	vld.idx.msk [tilespmem:v2+s22+$0x0], $0xffff;
	_ =	sdelay $0x2  }
0xb4: {  	s3 =	sadd.s32 $0x1, s11  }
0xb5: {  	v2 =	vmov s3  }
0xb6: {  	v2 =	vand.u32 $0xFFFFFFFD, v2  }
0xb7: {  	[tilespmem:s14+$0xFFFFFF60] =	vst v1;
	v1 =	vbroadcast v2, $0x0  }
0xb8: {  	v2 =	vld [tilespmem:s18+$0xFFFFFF80];
	_ =	sdelay $0x4  }
0xb9: {  	v1 =	vld.idx.msk [tilespmem:v1+s23+$0x0], $0xffff;
	[tilespmem:s14+$0xFFFFFF80] =	vst v2  }
0xba: {  	v2 =	vld [tilespmem:s18+$0xFFFFFF90];
	_ =	sdelay $0x4  }
0xbb: {  	[tilespmem:s14+$0xFFFFFF90] =	vst v2  }
0xbc: {  	v2 =	vld [tilespmem:s18+$0xFFFFFFA0];
	_ =	sdelay $0x4  }
0xbd: {  	[tilespmem:s14+$0xFFFFFFA0] =	vst v2  }
0xbe: {  	v3 =	vshrl.u32 v1, $0x12;
	v2 =	vld [tilespmem:s18+$0xFFFFFFB0]  }
0xbf: {  	v3 =	vadd.s32 v0, v3;
	_ =	sdelay $0x3  }
0xc0: {  	[tilespmem:s14+$0xFFFFFFB0] =	vst v2  }
0xc1: {  	v2 =	vld.idx.msk [tilespmem:v3+s19+$0x0], $0xffff;
	v3 =	vshrl.u32 v1, $0x9  }
0xc2: {  	v3 =	vand.u32 $0x1FF, v3  }
0xc3: {  	v3 =	vadd.s32 v0, v3;
	_ =	sdelay $0x3  }
0xc4: {  	[tilespmem:s14+$0xFFFFFFC0] =	vst v2  }
0xc5: {  	v2 =	vld.idx.msk [tilespmem:v3+s21+$0x0], $0xffff  }
0xc6: {  	v1 =	vand.u32 $0x1FF, v1  }
0xc7: {  	v1 =	vadd.s32 v0, v1;
	_ =	sdelay $0x3  }
0xc8: {  	[tilespmem:s14+$0xFFFFFFD0] =	vst v2  }
0xc9: {  	v1 =	vld.idx.msk [tilespmem:v1+s22+$0x0], $0xffff;
	_ =	sdelay $0x2  }
0xca: {  	s3 =	sadd.s32 $0x2, s11  }
0xcb: {  	v2 =	vmov s3  }
0xcc: {  	v2 =	vand.u32 $0xFFFFFFFE, v2  }
0xcd: {  	[tilespmem:s14+$0xFFFFFFE0] =	vst v1;
	v1 =	vbroadcast v2, $0x0  }
0xce: {  	v2 =	vld [tilespmem:s18+$0x0];
	_ =	sdelay $0x4  }
0xcf: {  	v1 =	vld.idx.msk [tilespmem:v1+s23+$0x0], $0xffff;
	[tilespmem:s14+$0x0] =	vst v2  }
0xd0: {  	v2 =	vld [tilespmem:s18+$0x10];
	_ =	sdelay $0x4  }
0xd1: {  	[tilespmem:s14+$0x10] =	vst v2  }
0xd2: {  	v2 =	vld [tilespmem:s18+$0x20];
	_ =	sdelay $0x4  }
0xd3: {  	[tilespmem:s14+$0x20] =	vst v2  }
0xd4: {  	v3 =	vshrl.u32 v1, $0x12;
	v2 =	vld [tilespmem:s18+$0x30]  }
0xd5: {  	v3 =	vadd.s32 v0, v3;
	_ =	sdelay $0x3  }
0xd6: {  	[tilespmem:s14+$0x30] =	vst v2  }
0xd7: {  	v2 =	vld.idx.msk [tilespmem:v3+s19+$0x0], $0xffff;
	v3 =	vshrl.u32 v1, $0x9  }
0xd8: {  	v3 =	vand.u32 $0x1FF, v3  }
0xd9: {  	v3 =	vadd.s32 v0, v3;
	_ =	sdelay $0x3  }
0xda: {  	[tilespmem:s14+$0x40] =	vst v2  }
0xdb: {  	v2 =	vld.idx.msk [tilespmem:v3+s21+$0x0], $0xffff  }
0xdc: {  	v1 =	vand.u32 $0x1FF, v1  }
0xdd: {  	v1 =	vadd.s32 v0, v1;
	_ =	sdelay $0x3  }
0xde: {  	[tilespmem:s14+$0x50] =	vst v2  }
0xdf: {  	v1 =	vld.idx.msk [tilespmem:v1+s22+$0x0], $0xffff;
	_ =	sdelay $0x5  }
0xe0: {  	s3 =	sadd.s32 $0x3, s11;
	s11 =	smov.u32 s15;
	[tilespmem:s14+$0x60] =	vst v1  }
0xe1: {  	v1 =	vmov s3;
	v2 =	vld [tilespmem:s18+$0x80];
	_ =	sdelay $0x4  }
0xe2: {  	v1 =	vld.idx.msk [tilespmem:v1+s23+$0x0], $0xffff;
	[tilespmem:s14+$0x80] =	vst v2  }
0xe3: {  	v2 =	vld [tilespmem:s18+$0x90];
	_ =	sdelay $0x4  }
0xe4: {  	[tilespmem:s14+$0x90] =	vst v2;
	v2 =	vand.u32 $0x1FF, v1  }
0xe5: {  	v3 =	vld [tilespmem:s18+$0xA0];
	_ =	sdelay $0x4  }
0xe6: {  	[tilespmem:s14+$0xA0] =	vst v3  }
0xe7: {  	v4 =	vshrl.u32 v1, $0x12;
	v3 =	vld [tilespmem:s18+$0xB0]  }
0xe8: {  	v4 =	vadd.s32 v0, v4;
	_ =	sdelay $0x3  }
0xe9: {  	[tilespmem:s14+$0xB0] =	vst v3  }
0xea: {  	v1 =	vshrl.u32 v1, $0x9;
	v3 =	vld.idx.msk [tilespmem:v4+s19+$0x0], $0xffff  }
0xeb: {  	v1 =	vand.u32 $0x1FF, v1  }
0xec: {  	v1 =	vadd.s32 v0, v1;
	_ =	sdelay $0x3  }
0xed: {  	[tilespmem:s14+$0xC0] =	vst v3  }
0xee: {  	v1 =	vld.idx.msk [tilespmem:v1+s21+$0x0], $0xffff;
	_ =	sdelay $0x1  }
0xef: {  	v2 =	vadd.s32 v0, v2;
	_ =	sdelay $0x3  }
0xf0: {  	[tilespmem:s14+$0xD0] =	vst v1  }
.Ltmp2:
0xf1: {  	v1 =	vld.idx.msk [tilespmem:v2+s22+$0x0], $0xffff;
	(pc) =	sbr.rel @p1 .LBB2_3-.Ltmp2, $2  }
0xf2: {  	_ =	sdelay $0x2  }
0xf3: {  	s15 =	sadd.s32 $0x4, s15;
	v2 =	vmov s11  }
0xf4: {  	v2 =	vand.u32 $0xFFFFFFFC, v2  }
0xf5: {  	[tilespmem:s14+$0xE0] =	vst v1;
	s15 =	sadd.s32 $0x200, s18;
	v2 =	vbroadcast v2, $0x0  }
0xf6: {  	v1 =	vld [tilespmem:s15+$0xFFFFFF00];
	_ =	sdelay $0x3  }
0xf7: {  	s14 =	sadd.s32 $0x200, s14  }
0xf8: {  	v2 =	vld.idx.msk [tilespmem:v2+s23+$0x0], $0xffff;
	[tilespmem:s14+$0xFFFFFF00] =	vst v1  }
0xf9: {  	v1 =	vld [tilespmem:s15+$0xFFFFFF10];
	_ =	sdelay $0x4  }
0xfa: {  	[tilespmem:s14+$0xFFFFFF10] =	vst v1  }
0xfb: {  	v1 =	vld [tilespmem:s15+$0xFFFFFF20];
	_ =	sdelay $0x4  }
0xfc: {  	[tilespmem:s14+$0xFFFFFF20] =	vst v1  }
0xfd: {  	v1 =	vshrl.u32 v2, $0x12;
	v3 =	vld [tilespmem:s15+$0xFFFFFF30]  }
0xfe: {  	v1 =	vadd.s32 v0, v1;
	_ =	sdelay $0x3  }
0xff: {  	v4 =	vshrl.u32 v2, $0x9;
	[tilespmem:s14+$0xFFFFFF30] =	vst v3  }
0x100: {  	v3 =	vand.u32 $0x1FF, v4;
	v1 =	vld.idx.msk [tilespmem:v1+s19+$0x0], $0xffff  }
0x101: {  	v3 =	vadd.s32 v0, v3;
	_ =	sdelay $0x3  }
0x102: {  	[tilespmem:s14+$0xFFFFFF40] =	vst v1  }
0x103: {  	v1 =	vand.u32 $0x1FF, v2;
	v2 =	vld.idx.msk [tilespmem:v3+s21+$0x0], $0xffff  }
0x104: {  	v1 =	vadd.s32 v0, v1;
	_ =	sdelay $0x3  }
0x105: {  	[tilespmem:s14+$0xFFFFFF50] =	vst v2  }
0x106: {  	v1 =	vld.idx.msk [tilespmem:v1+s22+$0x0], $0xffff;
	_ =	sdelay $0x1  }
0x107: {  	s3 =	sadd.s32 $0x1, s11  }
0x108: {  	v2 =	vmov s3  }
0x109: {  	v2 =	vand.u32 $0xFFFFFFFD, v2  }
0x10a: {  	v2 =	vbroadcast v2, $0x0;
	[tilespmem:s14+$0xFFFFFF60] =	vst v1  }
0x10b: {  	v1 =	vld [tilespmem:s15+$0xFFFFFF80];
	_ =	sdelay $0x4  }
0x10c: {  	v2 =	vld.idx.msk [tilespmem:v2+s23+$0x0], $0xffff;
	[tilespmem:s14+$0xFFFFFF80] =	vst v1  }
0x10d: {  	v1 =	vld [tilespmem:s15+$0xFFFFFF90];
	_ =	sdelay $0x4  }
0x10e: {  	[tilespmem:s14+$0xFFFFFF90] =	vst v1  }
0x10f: {  	v1 =	vld [tilespmem:s15+$0xFFFFFFA0];
	_ =	sdelay $0x4  }
0x110: {  	[tilespmem:s14+$0xFFFFFFA0] =	vst v1  }
0x111: {  	v3 =	vshrl.u32 v2, $0x12;
	v1 =	vld [tilespmem:s15+$0xFFFFFFB0]  }
0x112: {  	v3 =	vadd.s32 v0, v3;
	_ =	sdelay $0x3  }
0x113: {  	[tilespmem:s14+$0xFFFFFFB0] =	vst v1;
	v1 =	vshrl.u32 v2, $0x9  }
0x114: {  	v3 =	vld.idx.msk [tilespmem:v3+s19+$0x0], $0xffff;
	v1 =	vand.u32 $0x1FF, v1  }
0x115: {  	v1 =	vadd.s32 v0, v1;
	_ =	sdelay $0x3  }
0x116: {  	[tilespmem:s14+$0xFFFFFFC0] =	vst v3  }
0x117: {  	v2 =	vand.u32 $0x1FF, v2;
	v1 =	vld.idx.msk [tilespmem:v1+s21+$0x0], $0xffff  }
0x118: {  	v2 =	vadd.s32 v0, v2;
	_ =	sdelay $0x3  }
0x119: {  	[tilespmem:s14+$0xFFFFFFD0] =	vst v1  }
0x11a: {  	v1 =	vld.idx.msk [tilespmem:v2+s22+$0x0], $0xffff;
	_ =	sdelay $0x1  }
0x11b: {  	s18 =	sadd.s32 $0x2, s11  }
0x11c: {  	v2 =	vmov s18  }
0x11d: {  	v2 =	vand.u32 $0xFFFFFFFE, v2  }
0x11e: {  	v2 =	vbroadcast v2, $0x0;
	[tilespmem:s14+$0xFFFFFFE0] =	vst v1  }
0x11f: {  	v1 =	vld [tilespmem:s15+$0x0];
	_ =	sdelay $0x4  }
0x120: {  	v2 =	vld.idx.msk [tilespmem:v2+s23+$0x0], $0xffff;
	[tilespmem:s14+$0x0] =	vst v1  }
0x121: {  	v1 =	vld [tilespmem:s15+$0x10];
	_ =	sdelay $0x4  }
0x122: {  	[tilespmem:s14+$0x10] =	vst v1  }
0x123: {  	v1 =	vld [tilespmem:s15+$0x20];
	_ =	sdelay $0x4  }
0x124: {  	[tilespmem:s14+$0x20] =	vst v1  }
0x125: {  	v3 =	vshrl.u32 v2, $0x12;
	v1 =	vld [tilespmem:s15+$0x30]  }
0x126: {  	v3 =	vadd.s32 v0, v3;
	_ =	sdelay $0x3  }
0x127: {  	[tilespmem:s14+$0x30] =	vst v1;
	v1 =	vshrl.u32 v2, $0x9  }
0x128: {  	v3 =	vld.idx.msk [tilespmem:v3+s19+$0x0], $0xffff;
	v1 =	vand.u32 $0x1FF, v1  }
0x129: {  	v1 =	vadd.s32 v0, v1;
	_ =	sdelay $0x3  }
0x12a: {  	[tilespmem:s14+$0x40] =	vst v3  }
0x12b: {  	v2 =	vand.u32 $0x1FF, v2;
	v1 =	vld.idx.msk [tilespmem:v1+s21+$0x0], $0xffff  }
0x12c: {  	v2 =	vadd.s32 v0, v2;
	_ =	sdelay $0x3  }
0x12d: {  	[tilespmem:s14+$0x50] =	vst v1  }
0x12e: {  	v1 =	vld.idx.msk [tilespmem:v2+s22+$0x0], $0xffff;
	_ =	sdelay $0x4  }
0x12f: {  	s18 =	sadd.s32 $0x3, s11;
	[tilespmem:s14+$0x60] =	vst v1  }
0x130: {  	v1 =	vmov s18;
	v2 =	vld [tilespmem:s15+$0x80];
	_ =	sdelay $0x4  }
0x131: {  	v1 =	vld.idx.msk [tilespmem:v1+s23+$0x0], $0xffff;
	[tilespmem:s14+$0x80] =	vst v2  }
0x132: {  	v2 =	vld [tilespmem:s15+$0x90];
	_ =	sdelay $0x4  }
0x133: {  	[tilespmem:s14+$0x90] =	vst v2  }
0x134: {  	v2 =	vld [tilespmem:s15+$0xA0];
	_ =	sdelay $0x4  }
0x135: {  	[tilespmem:s14+$0xA0] =	vst v2  }
0x136: {  	v3 =	vshrl.u32 v1, $0x12;
	v2 =	vld [tilespmem:s15+$0xB0]  }
0x137: {  	v3 =	vadd.s32 v0, v3;
	_ =	sdelay $0x3  }
0x138: {  	[tilespmem:s14+$0xB0] =	vst v2;
	v2 =	vshrl.u32 v1, $0x9  }
0x139: {  	v3 =	vld.idx.msk [tilespmem:v3+s19+$0x0], $0xffff;
	v2 =	vand.u32 $0x1FF, v2  }
0x13a: {  	v2 =	vadd.s32 v0, v2;
	_ =	sdelay $0x3  }
0x13b: {  	[tilespmem:s14+$0xC0] =	vst v3  }
0x13c: {  	v1 =	vand.u32 $0x1FF, v1;
	v2 =	vld.idx.msk [tilespmem:v2+s21+$0x0], $0xffff  }
0x13d: {  	v1 =	vadd.s32 v0, v1;
	_ =	sdelay $0x3  }
0x13e: {  	[tilespmem:s14+$0xD0] =	vst v2  }
0x13f: {  	v1 =	vld.idx.msk [tilespmem:v1+s22+$0x0], $0xffff  }
0x140: {  	p1 =	sne.s32 s12, $0x3F  }
.Ltmp3:
0x141: {  	_ = 	snop;
	(pc) =	sbr.rel @!p1 .LBB2_6-.Ltmp3, $4  }
0x142: {  	_ = 	snop  }
0x143: {  	s20 =	sshll.u32 s20, $0x4  }
0x144: {  	s3 =	sadd.s32 s10, s20;
	[tilespmem:s14+$0xE0] =	vst v1;
	s14 =	sadd.s32 s13, s16  }
0x145: {  	[hbm4b:s3+s8] =	stream.linear.scatter [tilespmem:s7], [sflag:$0x2], $0x6400, $0x38;
	[tilespmem:$0x19780] =	vst v63  }
0x146: {  	s3 =	rddreg [dreg:$0xc]  }
0x147: {  	s3 =	sadd.s32 s13, s3  }
.Ltmp4:
0x148: {  	s3 =	sshrl.u32 s3, $0x3;
	(pc) =	sbr.rel @p0 .LBB2_7-.Ltmp4, $4  }
0x149: {  	s11 =	sadd.s32 s0, s3  }
0x14a: {  	[tilespmem:s8], [sflag:$0x3] =	stream.linear.gather [hbm4b:s11+s8], $0xC8, $0x38;
	[tilespmem:$0x19780] =	vst v63  }
0x14b: {  	s3 =	sadd.s32 s1, s3  }
0x14c: {  	[tilespmem:s23], [sflag:$0x3] =	stream.linear.gather [hbm4b:s3+s8], $0xC8, $0x38;
	[tilespmem:$0x19780] =	vst v63  }
.LBB2_6:
0x14d: {  	_ =	swait.ge [sflag:s26], $0x6400  }
0x14e: {  	[sflag:s26] =	ssyncset.done $0x0  }
0x14f: {  	[sflag:s26] =	ssyncadd.s32 $0xFFFF9C00  }
.LBB2_7:
0x150: {  	_ =	swait.ge [sflag:s6], $0x4000  }
0x151: {  	[sflag:s6] =	ssyncset.done $0x0  }
0x152: {  	[sflag:s6] =	ssyncadd.s32 $0xFFFFC000  }
0x153: {  	_ =	swait.ge [sflag:s6], $0x2400  }
0x154: {  	p0 =	seq.s32 s12, $0x3F;
	[sflag:s6] =	ssyncset.done $0x0  }
0x155: {  	s3 =	simm.s32 @!p0 $0x3;
	[sflag:s6] =	ssyncadd.s32 $0xFFFFDC00  }
0x156: {  	_ =	swait.ge @!p0 [sflag:s3], $0xC8  }
0x157: {  	[sflag:s3] =	ssyncset.done @!p0 $0x0  }
0x158: {  	[sflag:s3] =	ssyncadd.s32 @!p0 $0xFFFFFF38  }
0x159: {  	_ =	swait.ge @!p0 [sflag:s3], $0xC8  }
0x15a: {  	s18 =	simm.s32 $0x0;
	s11 =	simm.s32 @!p0 $0x0;
	[sflag:s3] =	ssyncset.done @!p0 $0x0  }
0x15b: {  	s15 =	simm.s32 @!p0 $0x780;
	[sflag:s3] =	ssyncadd.s32 @!p0 $0xFFFFFF38;
	s3 =	simm.s32 @!p0 $0x80  }
0x15c: {  	v1 =	vmov s18;
	[tilespmem:s15], [sflag:$0x1] =	stream.indirect.gather @!p0 [hbm4b:s2+s3], $0x80, s11, s3, $0xb8;
	[tilespmem:$0x19780] =	vst v63  }
0x15d: {  	s20 =	simm.s32 $0x6C80;
	v1 =	vand.u32 $0xFFFFFFFC, v1;
	s11 =	simm.s32 @!p0 $0x48;
	s15 =	simm.s32 @!p0 $0x4780  }
0x15e: {  	v1 =	vbroadcast v1, $0x0;
	[tilespmem:s15], [sflag:$0x1] =	stream.indirect.gather @!p0 [hbm4b:s2+s11], $0x80, s3, s11, $0xb8;
	[tilespmem:$0x19780] =	vst v63  }
0x15f: {  	v2 =	vld [tilespmem:s20+$0xFFFFFF00];
	_ =	sdelay $0x3  }
0x160: {  	s18 =	simm.s32 $0x13480  }
0x161: {  	v1 =	vld.idx.msk [tilespmem:v1+s31+$0x0], $0xffff;
	[tilespmem:s18+$0xFFFFFF00] =	vst v2  }
0x162: {  	v2 =	vld [tilespmem:s20+$0xFFFFFF10];
	_ =	sdelay $0x4  }
0x163: {  	[tilespmem:s18+$0xFFFFFF10] =	vst v2  }
0x164: {  	v2 =	vld [tilespmem:s20+$0xFFFFFF20];
	_ =	sdelay $0x4  }
0x165: {  	[tilespmem:s18+$0xFFFFFF20] =	vst v2  }
0x166: {  	v2 =	vshrl.u32 v1, $0x12;
	v3 =	vld [tilespmem:s20+$0xFFFFFF30]  }
0x167: {  	v2 =	vadd.s32 v0, v2;
	_ =	sdelay $0x3  }
0x168: {  	v4 =	vshrl.u32 v1, $0x9;
	[tilespmem:s18+$0xFFFFFF30] =	vst v3  }
0x169: {  	v3 =	vand.u32 $0x1FF, v4;
	v2 =	vld.idx.msk [tilespmem:v2+s19+$0x0], $0xffff  }
0x16a: {  	v3 =	vadd.s32 v0, v3;
	_ =	sdelay $0x3  }
0x16b: {  	[tilespmem:s18+$0xFFFFFF40] =	vst v2  }
0x16c: {  	v1 =	vand.u32 $0x1FF, v1;
	v2 =	vld.idx.msk [tilespmem:v3+s21+$0x0], $0xffff  }
0x16d: {  	v1 =	vadd.s32 v0, v1;
	_ =	sdelay $0x3  }
0x16e: {  	[tilespmem:s18+$0xFFFFFF50] =	vst v2  }
0x16f: {  	v1 =	vld.idx.msk [tilespmem:v1+s22+$0x0], $0xffff;
	_ =	sdelay $0x1  }
0x170: {  	s15 =	simm.s32 $0x1  }
0x171: {  	v2 =	vmov s15  }
0x172: {  	v2 =	vand.u32 $0xFFFFFFFD, v2  }
0x173: {  	v2 =	vbroadcast v2, $0x0;
	[tilespmem:s18+$0xFFFFFF60] =	vst v1  }
0x174: {  	v1 =	vld [tilespmem:s20+$0xFFFFFF80];
	_ =	sdelay $0x4  }
0x175: {  	v2 =	vld.idx.msk [tilespmem:v2+s31+$0x0], $0xffff;
	[tilespmem:s18+$0xFFFFFF80] =	vst v1  }
0x176: {  	v1 =	vld [tilespmem:s20+$0xFFFFFF90];
	_ =	sdelay $0x4  }
0x177: {  	[tilespmem:s18+$0xFFFFFF90] =	vst v1  }
0x178: {  	v1 =	vld [tilespmem:s20+$0xFFFFFFA0];
	_ =	sdelay $0x4  }
0x179: {  	[tilespmem:s18+$0xFFFFFFA0] =	vst v1  }
0x17a: {  	v3 =	vshrl.u32 v2, $0x12;
	v1 =	vld [tilespmem:s20+$0xFFFFFFB0]  }
0x17b: {  	v3 =	vadd.s32 v0, v3;
	_ =	sdelay $0x3  }
0x17c: {  	[tilespmem:s18+$0xFFFFFFB0] =	vst v1;
	v1 =	vshrl.u32 v2, $0x9  }
0x17d: {  	v3 =	vld.idx.msk [tilespmem:v3+s19+$0x0], $0xffff;
	v1 =	vand.u32 $0x1FF, v1  }
0x17e: {  	v1 =	vadd.s32 v0, v1;
	_ =	sdelay $0x3  }
0x17f: {  	[tilespmem:s18+$0xFFFFFFC0] =	vst v3  }
0x180: {  	v2 =	vand.u32 $0x1FF, v2;
	v1 =	vld.idx.msk [tilespmem:v1+s21+$0x0], $0xffff  }
0x181: {  	v2 =	vadd.s32 v0, v2;
	_ =	sdelay $0x3  }
0x182: {  	[tilespmem:s18+$0xFFFFFFD0] =	vst v1  }
0x183: {  	v1 =	vld.idx.msk [tilespmem:v2+s22+$0x0], $0xffff;
	_ =	sdelay $0x1  }
0x184: {  	s11 =	simm.s32 $0x2  }
0x185: {  	v2 =	vmov s11  }
0x186: {  	v2 =	vand.u32 $0xFFFFFFFE, v2  }
0x187: {  	v2 =	vbroadcast v2, $0x0;
	[tilespmem:s18+$0xFFFFFFE0] =	vst v1  }
0x188: {  	v1 =	vld [tilespmem:s20+$0x0];
	_ =	sdelay $0x4  }
0x189: {  	v2 =	vld.idx.msk [tilespmem:v2+s31+$0x0], $0xffff;
	[tilespmem:s18+$0x0] =	vst v1  }
0x18a: {  	v1 =	vld [tilespmem:s20+$0x10];
	_ =	sdelay $0x4  }
0x18b: {  	[tilespmem:s18+$0x10] =	vst v1  }
0x18c: {  	v1 =	vld [tilespmem:s20+$0x20];
	_ =	sdelay $0x4  }
0x18d: {  	[tilespmem:s18+$0x20] =	vst v1  }
0x18e: {  	v3 =	vshrl.u32 v2, $0x12;
	v1 =	vld [tilespmem:s20+$0x30]  }
0x18f: {  	v3 =	vadd.s32 v0, v3;
	_ =	sdelay $0x3  }
0x190: {  	[tilespmem:s18+$0x30] =	vst v1;
	v1 =	vshrl.u32 v2, $0x9  }
0x191: {  	v3 =	vld.idx.msk [tilespmem:v3+s19+$0x0], $0xffff;
	v1 =	vand.u32 $0x1FF, v1  }
0x192: {  	v1 =	vadd.s32 v0, v1;
	_ =	sdelay $0x3  }
0x193: {  	[tilespmem:s18+$0x40] =	vst v3  }
0x194: {  	v2 =	vand.u32 $0x1FF, v2;
	v1 =	vld.idx.msk [tilespmem:v1+s21+$0x0], $0xffff  }
0x195: {  	v2 =	vadd.s32 v0, v2;
	_ =	sdelay $0x3  }
0x196: {  	[tilespmem:s18+$0x50] =	vst v1  }
0x197: {  	v1 =	vld.idx.msk [tilespmem:v2+s22+$0x0], $0xffff;
	_ =	sdelay $0x4  }
0x198: {  	s15 =	simm.s32 $0x3;
	[tilespmem:s18+$0x60] =	vst v1  }
0x199: {  	v1 =	vmov s15;
	v2 =	vld [tilespmem:s20+$0x80];
	_ =	sdelay $0x4  }
0x19a: {  	v1 =	vld.idx.msk [tilespmem:v1+s31+$0x0], $0xffff;
	[tilespmem:s18+$0x80] =	vst v2  }
0x19b: {  	v2 =	vld [tilespmem:s20+$0x90];
	_ =	sdelay $0x4  }
0x19c: {  	[tilespmem:s18+$0x90] =	vst v2  }
0x19d: {  	v2 =	vld [tilespmem:s20+$0xA0];
	_ =	sdelay $0x4  }
0x19e: {  	[tilespmem:s18+$0xA0] =	vst v2  }
0x19f: {  	v3 =	vshrl.u32 v1, $0x12;
	v2 =	vld [tilespmem:s20+$0xB0]  }
0x1a0: {  	v3 =	vadd.s32 v0, v3;
	_ =	sdelay $0x3  }
0x1a1: {  	[tilespmem:s18+$0xB0] =	vst v2;
	v2 =	vshrl.u32 v1, $0x9  }
0x1a2: {  	v3 =	vld.idx.msk [tilespmem:v3+s19+$0x0], $0xffff;
	v2 =	vand.u32 $0x1FF, v2  }
0x1a3: {  	v2 =	vadd.s32 v0, v2;
	_ =	sdelay $0x3  }
0x1a4: {  	[tilespmem:s18+$0xC0] =	vst v3  }
0x1a5: {  	v1 =	vand.u32 $0x1FF, v1;
	v2 =	vld.idx.msk [tilespmem:v2+s21+$0x0], $0xffff  }
0x1a6: {  	v1 =	vadd.s32 v0, v1;
	_ =	sdelay $0x3  }
0x1a7: {  	[tilespmem:s18+$0xD0] =	vst v2  }
0x1a8: {  	v1 =	vld.idx.msk [tilespmem:v1+s22+$0x0], $0xffff;
	_ =	sdelay $0x1  }
0x1a9: {  	s11 =	simm.s32 $0x4  }
0x1aa: {  	s15 =	simm.s32 $0x8;
	v2 =	vmov s11  }
.LBB2_8:
0x1ab: {  	p1 =	slt.u32 s15, $0xC4;
	v2 =	vand.u32 $0xFFFFFFFC, v2  }
0x1ac: {  	s20 =	sadd.s32 $0x200, s20;
	v2 =	vbroadcast v2, $0x0;
	[tilespmem:s18+$0xE0] =	vst v1  }
0x1ad: {  	v1 =	vld [tilespmem:s20+$0xFFFFFF00];
	_ =	sdelay $0x3  }
0x1ae: {  	s18 =	sadd.s32 $0x200, s18  }
0x1af: {  	v2 =	vld.idx.msk [tilespmem:v2+s31+$0x0], $0xffff;
	[tilespmem:s18+$0xFFFFFF00] =	vst v1  }
0x1b0: {  	v1 =	vld [tilespmem:s20+$0xFFFFFF10];
	_ =	sdelay $0x4  }
0x1b1: {  	v3 =	vshrl.u32 v2, $0x9;
	[tilespmem:s18+$0xFFFFFF10] =	vst v1;
	v1 =	vshrl.u32 v2, $0x12;
	v2 =	vand.u32 $0x1FF, v2  }
0x1b2: {  	v4 =	vld [tilespmem:s20+$0xFFFFFF20];
	_ =	sdelay $0x4  }
0x1b3: {  	[tilespmem:s18+$0xFFFFFF20] =	vst v4  }
0x1b4: {  	v4 =	vld [tilespmem:s20+$0xFFFFFF30]  }
0x1b5: {  	v1 =	vadd.s32 v0, v1;
	_ =	sdelay $0x3  }
0x1b6: {  	[tilespmem:s18+$0xFFFFFF30] =	vst v4  }
0x1b7: {  	v1 =	vld.idx.msk [tilespmem:v1+s19+$0x0], $0xffff  }
0x1b8: {  	v3 =	vand.u32 $0x1FF, v3  }
0x1b9: {  	v3 =	vadd.s32 v0, v3;
	_ =	sdelay $0x3  }
0x1ba: {  	[tilespmem:s18+$0xFFFFFF40] =	vst v1  }
0x1bb: {  	v1 =	vld.idx.msk [tilespmem:v3+s21+$0x0], $0xffff;
	_ =	sdelay $0x1  }
0x1bc: {  	v2 =	vadd.s32 v0, v2;
	_ =	sdelay $0x3  }
0x1bd: {  	[tilespmem:s18+$0xFFFFFF50] =	vst v1  }
0x1be: {  	v1 =	vld.idx.msk [tilespmem:v2+s22+$0x0], $0xffff;
	_ =	sdelay $0x2  }
0x1bf: {  	s3 =	sadd.s32 $0x1, s11  }
0x1c0: {  	v2 =	vmov s3  }
0x1c1: {  	v2 =	vand.u32 $0xFFFFFFFD, v2  }
0x1c2: {  	[tilespmem:s18+$0xFFFFFF60] =	vst v1;
	v1 =	vbroadcast v2, $0x0  }
0x1c3: {  	v2 =	vld [tilespmem:s20+$0xFFFFFF80];
	_ =	sdelay $0x4  }
0x1c4: {  	v1 =	vld.idx.msk [tilespmem:v1+s31+$0x0], $0xffff;
	[tilespmem:s18+$0xFFFFFF80] =	vst v2  }
0x1c5: {  	v2 =	vld [tilespmem:s20+$0xFFFFFF90];
	_ =	sdelay $0x4  }
0x1c6: {  	[tilespmem:s18+$0xFFFFFF90] =	vst v2  }
0x1c7: {  	v2 =	vld [tilespmem:s20+$0xFFFFFFA0];
	_ =	sdelay $0x4  }
0x1c8: {  	[tilespmem:s18+$0xFFFFFFA0] =	vst v2  }
0x1c9: {  	v3 =	vshrl.u32 v1, $0x12;
	v2 =	vld [tilespmem:s20+$0xFFFFFFB0]  }
0x1ca: {  	v3 =	vadd.s32 v0, v3;
	_ =	sdelay $0x3  }
0x1cb: {  	[tilespmem:s18+$0xFFFFFFB0] =	vst v2  }
0x1cc: {  	v2 =	vld.idx.msk [tilespmem:v3+s19+$0x0], $0xffff;
	v3 =	vshrl.u32 v1, $0x9  }
0x1cd: {  	v3 =	vand.u32 $0x1FF, v3  }
0x1ce: {  	v3 =	vadd.s32 v0, v3;
	_ =	sdelay $0x3  }
0x1cf: {  	[tilespmem:s18+$0xFFFFFFC0] =	vst v2  }
0x1d0: {  	v2 =	vld.idx.msk [tilespmem:v3+s21+$0x0], $0xffff  }
0x1d1: {  	v1 =	vand.u32 $0x1FF, v1  }
0x1d2: {  	v1 =	vadd.s32 v0, v1;
	_ =	sdelay $0x3  }
0x1d3: {  	[tilespmem:s18+$0xFFFFFFD0] =	vst v2  }
0x1d4: {  	v1 =	vld.idx.msk [tilespmem:v1+s22+$0x0], $0xffff;
	_ =	sdelay $0x2  }
0x1d5: {  	s3 =	sadd.s32 $0x2, s11  }
0x1d6: {  	v2 =	vmov s3  }
0x1d7: {  	v2 =	vand.u32 $0xFFFFFFFE, v2  }
0x1d8: {  	[tilespmem:s18+$0xFFFFFFE0] =	vst v1;
	v1 =	vbroadcast v2, $0x0  }
0x1d9: {  	v2 =	vld [tilespmem:s20+$0x0];
	_ =	sdelay $0x4  }
0x1da: {  	v1 =	vld.idx.msk [tilespmem:v1+s31+$0x0], $0xffff;
	[tilespmem:s18+$0x0] =	vst v2  }
0x1db: {  	v2 =	vld [tilespmem:s20+$0x10];
	_ =	sdelay $0x4  }
0x1dc: {  	[tilespmem:s18+$0x10] =	vst v2  }
0x1dd: {  	v2 =	vld [tilespmem:s20+$0x20];
	_ =	sdelay $0x4  }
0x1de: {  	[tilespmem:s18+$0x20] =	vst v2  }
0x1df: {  	v3 =	vshrl.u32 v1, $0x12;
	v2 =	vld [tilespmem:s20+$0x30]  }
0x1e0: {  	v3 =	vadd.s32 v0, v3;
	_ =	sdelay $0x3  }
0x1e1: {  	[tilespmem:s18+$0x30] =	vst v2  }
0x1e2: {  	v2 =	vld.idx.msk [tilespmem:v3+s19+$0x0], $0xffff;
	v3 =	vshrl.u32 v1, $0x9  }
0x1e3: {  	v3 =	vand.u32 $0x1FF, v3  }
0x1e4: {  	v3 =	vadd.s32 v0, v3;
	_ =	sdelay $0x3  }
0x1e5: {  	[tilespmem:s18+$0x40] =	vst v2  }
0x1e6: {  	v2 =	vld.idx.msk [tilespmem:v3+s21+$0x0], $0xffff  }
0x1e7: {  	v1 =	vand.u32 $0x1FF, v1  }
0x1e8: {  	v1 =	vadd.s32 v0, v1;
	_ =	sdelay $0x3  }
0x1e9: {  	[tilespmem:s18+$0x50] =	vst v2  }
0x1ea: {  	v1 =	vld.idx.msk [tilespmem:v1+s22+$0x0], $0xffff;
	_ =	sdelay $0x5  }
0x1eb: {  	s3 =	sadd.s32 $0x3, s11;
	s11 =	smov.u32 s15;
	[tilespmem:s18+$0x60] =	vst v1  }
0x1ec: {  	v1 =	vmov s3;
	v2 =	vld [tilespmem:s20+$0x80];
	_ =	sdelay $0x4  }
0x1ed: {  	v1 =	vld.idx.msk [tilespmem:v1+s31+$0x0], $0xffff;
	[tilespmem:s18+$0x80] =	vst v2  }
0x1ee: {  	v2 =	vld [tilespmem:s20+$0x90];
	_ =	sdelay $0x4  }
0x1ef: {  	[tilespmem:s18+$0x90] =	vst v2;
	v2 =	vand.u32 $0x1FF, v1  }
0x1f0: {  	v3 =	vld [tilespmem:s20+$0xA0];
	_ =	sdelay $0x4  }
0x1f1: {  	[tilespmem:s18+$0xA0] =	vst v3  }
0x1f2: {  	v4 =	vshrl.u32 v1, $0x12;
	v3 =	vld [tilespmem:s20+$0xB0]  }
0x1f3: {  	v4 =	vadd.s32 v0, v4;
	_ =	sdelay $0x3  }
0x1f4: {  	[tilespmem:s18+$0xB0] =	vst v3  }
0x1f5: {  	v1 =	vshrl.u32 v1, $0x9;
	v3 =	vld.idx.msk [tilespmem:v4+s19+$0x0], $0xffff  }
0x1f6: {  	v1 =	vand.u32 $0x1FF, v1  }
0x1f7: {  	v1 =	vadd.s32 v0, v1;
	_ =	sdelay $0x3  }
0x1f8: {  	[tilespmem:s18+$0xC0] =	vst v3  }
0x1f9: {  	v1 =	vld.idx.msk [tilespmem:v1+s21+$0x0], $0xffff;
	_ =	sdelay $0x1  }
0x1fa: {  	v2 =	vadd.s32 v0, v2;
	_ =	sdelay $0x3  }
0x1fb: {  	[tilespmem:s18+$0xD0] =	vst v1  }
.Ltmp5:
0x1fc: {  	v1 =	vld.idx.msk [tilespmem:v2+s22+$0x0], $0xffff;
	(pc) =	sbr.rel @p1 .LBB2_8-.Ltmp5, $2  }
0x1fd: {  	_ =	sdelay $0x2  }
0x1fe: {  	s15 =	sadd.s32 $0x4, s15;
	v2 =	vmov s11  }
0x1ff: {  	v2 =	vand.u32 $0xFFFFFFFC, v2  }
0x200: {  	[tilespmem:s18+$0xE0] =	vst v1;
	s20 =	sadd.s32 $0x200, s20;
	v2 =	vbroadcast v2, $0x0  }
0x201: {  	v1 =	vld [tilespmem:s20+$0xFFFFFF00];
	_ =	sdelay $0x3  }
0x202: {  	s15 =	sadd.s32 $0x200, s18  }
0x203: {  	v2 =	vld.idx.msk [tilespmem:v2+s31+$0x0], $0xffff;
	[tilespmem:s15+$0xFFFFFF00] =	vst v1  }
0x204: {  	v1 =	vld [tilespmem:s20+$0xFFFFFF10];
	_ =	sdelay $0x4  }
0x205: {  	[tilespmem:s15+$0xFFFFFF10] =	vst v1  }
0x206: {  	v1 =	vld [tilespmem:s20+$0xFFFFFF20];
	_ =	sdelay $0x4  }
0x207: {  	[tilespmem:s15+$0xFFFFFF20] =	vst v1  }
0x208: {  	v1 =	vshrl.u32 v2, $0x12;
	v3 =	vld [tilespmem:s20+$0xFFFFFF30]  }
0x209: {  	v1 =	vadd.s32 v0, v1;
	_ =	sdelay $0x3  }
0x20a: {  	v4 =	vshrl.u32 v2, $0x9;
	[tilespmem:s15+$0xFFFFFF30] =	vst v3  }
0x20b: {  	v3 =	vand.u32 $0x1FF, v4;
	v1 =	vld.idx.msk [tilespmem:v1+s19+$0x0], $0xffff  }
0x20c: {  	v3 =	vadd.s32 v0, v3;
	_ =	sdelay $0x3  }
0x20d: {  	[tilespmem:s15+$0xFFFFFF40] =	vst v1  }
0x20e: {  	v1 =	vand.u32 $0x1FF, v2;
	v2 =	vld.idx.msk [tilespmem:v3+s21+$0x0], $0xffff  }
0x20f: {  	v1 =	vadd.s32 v0, v1;
	_ =	sdelay $0x3  }
0x210: {  	[tilespmem:s15+$0xFFFFFF50] =	vst v2  }
0x211: {  	v1 =	vld.idx.msk [tilespmem:v1+s22+$0x0], $0xffff;
	_ =	sdelay $0x1  }
0x212: {  	s3 =	sadd.s32 $0x1, s11  }
0x213: {  	v2 =	vmov s3  }
0x214: {  	v2 =	vand.u32 $0xFFFFFFFD, v2  }
0x215: {  	v2 =	vbroadcast v2, $0x0;
	[tilespmem:s15+$0xFFFFFF60] =	vst v1  }
0x216: {  	v1 =	vld [tilespmem:s20+$0xFFFFFF80];
	_ =	sdelay $0x4  }
0x217: {  	v2 =	vld.idx.msk [tilespmem:v2+s31+$0x0], $0xffff;
	[tilespmem:s15+$0xFFFFFF80] =	vst v1  }
0x218: {  	v1 =	vld [tilespmem:s20+$0xFFFFFF90];
	_ =	sdelay $0x4  }
0x219: {  	[tilespmem:s15+$0xFFFFFF90] =	vst v1  }
0x21a: {  	v1 =	vld [tilespmem:s20+$0xFFFFFFA0];
	_ =	sdelay $0x4  }
0x21b: {  	[tilespmem:s15+$0xFFFFFFA0] =	vst v1  }
0x21c: {  	v3 =	vshrl.u32 v2, $0x12;
	v1 =	vld [tilespmem:s20+$0xFFFFFFB0]  }
0x21d: {  	v3 =	vadd.s32 v0, v3;
	_ =	sdelay $0x3  }
0x21e: {  	[tilespmem:s15+$0xFFFFFFB0] =	vst v1;
	v1 =	vshrl.u32 v2, $0x9  }
0x21f: {  	v3 =	vld.idx.msk [tilespmem:v3+s19+$0x0], $0xffff;
	v1 =	vand.u32 $0x1FF, v1  }
0x220: {  	v1 =	vadd.s32 v0, v1;
	_ =	sdelay $0x3  }
0x221: {  	[tilespmem:s15+$0xFFFFFFC0] =	vst v3  }
0x222: {  	v2 =	vand.u32 $0x1FF, v2;
	v1 =	vld.idx.msk [tilespmem:v1+s21+$0x0], $0xffff  }
0x223: {  	v2 =	vadd.s32 v0, v2;
	_ =	sdelay $0x3  }
0x224: {  	[tilespmem:s15+$0xFFFFFFD0] =	vst v1  }
0x225: {  	v1 =	vld.idx.msk [tilespmem:v2+s22+$0x0], $0xffff;
	_ =	sdelay $0x1  }
0x226: {  	s18 =	sadd.s32 $0x2, s11  }
0x227: {  	v2 =	vmov s18  }
0x228: {  	v2 =	vand.u32 $0xFFFFFFFE, v2  }
0x229: {  	v2 =	vbroadcast v2, $0x0;
	[tilespmem:s15+$0xFFFFFFE0] =	vst v1  }
0x22a: {  	v1 =	vld [tilespmem:s20+$0x0];
	_ =	sdelay $0x4  }
0x22b: {  	v2 =	vld.idx.msk [tilespmem:v2+s31+$0x0], $0xffff;
	[tilespmem:s15+$0x0] =	vst v1  }
0x22c: {  	v1 =	vld [tilespmem:s20+$0x10];
	_ =	sdelay $0x4  }
0x22d: {  	[tilespmem:s15+$0x10] =	vst v1  }
0x22e: {  	v1 =	vld [tilespmem:s20+$0x20];
	_ =	sdelay $0x4  }
0x22f: {  	[tilespmem:s15+$0x20] =	vst v1  }
0x230: {  	v3 =	vshrl.u32 v2, $0x12;
	v1 =	vld [tilespmem:s20+$0x30]  }
0x231: {  	v3 =	vadd.s32 v0, v3;
	_ =	sdelay $0x3  }
0x232: {  	[tilespmem:s15+$0x30] =	vst v1;
	v1 =	vshrl.u32 v2, $0x9  }
0x233: {  	v3 =	vld.idx.msk [tilespmem:v3+s19+$0x0], $0xffff;
	v1 =	vand.u32 $0x1FF, v1  }
0x234: {  	v1 =	vadd.s32 v0, v1;
	_ =	sdelay $0x3  }
0x235: {  	[tilespmem:s15+$0x40] =	vst v3  }
0x236: {  	v2 =	vand.u32 $0x1FF, v2;
	v1 =	vld.idx.msk [tilespmem:v1+s21+$0x0], $0xffff  }
0x237: {  	v2 =	vadd.s32 v0, v2;
	_ =	sdelay $0x3  }
0x238: {  	[tilespmem:s15+$0x50] =	vst v1  }
0x239: {  	v1 =	vld.idx.msk [tilespmem:v2+s22+$0x0], $0xffff;
	_ =	sdelay $0x4  }
0x23a: {  	s18 =	sadd.s32 $0x3, s11;
	[tilespmem:s15+$0x60] =	vst v1  }
0x23b: {  	v1 =	vmov s18;
	v2 =	vld [tilespmem:s20+$0x80];
	_ =	sdelay $0x4  }
0x23c: {  	v1 =	vld.idx.msk [tilespmem:v1+s31+$0x0], $0xffff;
	[tilespmem:s15+$0x80] =	vst v2  }
0x23d: {  	v2 =	vld [tilespmem:s20+$0x90];
	_ =	sdelay $0x4  }
0x23e: {  	[tilespmem:s15+$0x90] =	vst v2  }
0x23f: {  	v2 =	vld [tilespmem:s20+$0xA0];
	_ =	sdelay $0x4  }
0x240: {  	[tilespmem:s15+$0xA0] =	vst v2  }
0x241: {  	v3 =	vshrl.u32 v1, $0x12;
	v2 =	vld [tilespmem:s20+$0xB0]  }
0x242: {  	v3 =	vadd.s32 v0, v3;
	_ =	sdelay $0x3  }
0x243: {  	[tilespmem:s15+$0xB0] =	vst v2;
	v2 =	vshrl.u32 v1, $0x9  }
0x244: {  	v3 =	vld.idx.msk [tilespmem:v3+s19+$0x0], $0xffff;
	v2 =	vand.u32 $0x1FF, v2  }
0x245: {  	v2 =	vadd.s32 v0, v2;
	_ =	sdelay $0x3  }
0x246: {  	[tilespmem:s15+$0xC0] =	vst v3  }
0x247: {  	v1 =	vand.u32 $0x1FF, v1;
	v2 =	vld.idx.msk [tilespmem:v2+s21+$0x0], $0xffff  }
0x248: {  	v1 =	vadd.s32 v0, v1;
	_ =	sdelay $0x3  }
0x249: {  	[tilespmem:s15+$0xD0] =	vst v2  }
0x24a: {  	v1 =	vld.idx.msk [tilespmem:v1+s22+$0x0], $0xffff;
	_ =	sdelay $0x1  }
.Ltmp6:
0x24b: {  	_ = 	snop;
	(pc) =	sbr.rel @p0 .LBB2_11-.Ltmp6, $4  }
0x24c: {  	_ = 	snop  }
0x24d: {  	s20 =	sshll.u32 s14, $0x4  }
0x24e: {  	s3 =	sadd.s32 s10, s20;
	[tilespmem:s15+$0xE0] =	vst v1  }
0x24f: {  	[hbm4b:s3+s8] =	stream.linear.scatter [tilespmem:s29], [sflag:$0x2], $0x6400, $0x38;
	[tilespmem:$0x19780] =	vst v63  }
0x250: {  	s3 =	sadd.s32 s13, s17  }
.Ltmp7:
0x251: {  	s3 =	sshrl.u32 s3, $0x3;
	(pc) =	sbr.rel .LBB2_2-.Ltmp7, $4  }
0x252: {  	s11 =	sadd.s32 s0, s3  }
0x253: {  	[tilespmem:s30], [sflag:$0x3] =	stream.linear.gather [hbm4b:s11+s8], $0xC8, $0x38;
	[tilespmem:$0x19780] =	vst v63  }
0x254: {  	s12 =	sadd.s32 $0x1, s12;
	s3 =	sadd.s32 s1, s3  }
0x255: {  	[tilespmem:s31], [sflag:$0x3] =	stream.linear.gather [hbm4b:s3+s8], $0xC8, $0x38;
	[tilespmem:$0x19780] =	vst v63  }
.LBB2_12:
0x256: {  	_ =	sfence.sel $0x180000  }
0x257: {  	[bflag:$0x0] =	sbarrier.arrive $0xFFFF  }
0x258: {  	_ =	strace $0x90000047  }
0x259: {  	s0 =	stileid.u32;
	[bflag:$0x2] =	sbarrier.arrive $0xFFFF  }
0x25a: {  	p0 =	sne.s32 s0, $0x0;
	s0 =	rddreg [dreg:$0x7]  }
0x25b: {  	s0 =	sadd.s32 @!p0 $0x100000, s0  }
0x25c: {  	[sflag:s0] =	ssyncadd.tile.s32 @!p0 $0x1;
	_ =	shalt  }
.Lfunc_end2:
_tile_overlayer_lowered:
.L_overlay_start_2:
0x25d: {  	(tag) =	ssettag $0x2  }
0x25e: {  	s0 =	rddreg [dreg:$0x0];
	s2 =	stileid.u32  }
0x25f: {  	s1 =	rddreg [dreg:$0x1];
	p0 =	sne.s32 s2, $0x0  }
0x260: {  	s3 =	rddreg [dreg:$0x2];
	[bflag:$0x3] =	sbarrier.arrive $0xFFFF;
	s2 =	simm.s32 @!p0 $0x1C04  }
0x261: {  	[timem:s3], [sflag:s2] =	dma.local @!p0 [hbm:s0], s1  }
0x262: {  	s0 =	simm.s32 @!p0 $0x4  }
0x263: {  	_ =	swait.ge @!p0 [sflag:s0], s1  }
0x264: {  	s1 =	ssub.s32 @!p0 $0x0, s1;
	[sflag:s0] =	ssyncset.done @!p0 $0x0  }
0x265: {  	[sflag:s0] =	ssyncadd.s32 @!p0 s1  }
0x266: {  	[bflag:$0x3] =	sbarrier.arrive $0xFFFF  }
0x267: {  	_ =	shalt  }

</sc_bundles>
